<compile_context>
chip_gen: v7x
topology: tpu7x:2x2x1
jax: 0.10.2.dev20260603
libtpu: 0.0.44.dev20260713+nightly
codegen_flags: <defaults>
</compile_context>

<pallas_src>
import functools

import jax
import jax.numpy as jnp
from jax import lax
from jax.experimental import pallas as pl
from jax.experimental.pallas import tpu as pltpu
from jax.experimental.pallas import tpu_sc as plsc

_N = 10000
_NG = 128
_NF = 8
_E = 320000
_NW = 32
_EPW = _E // _NW


def _fv_kernel(x_ref, W1_ref, b1_ref, W2_ref, b2_ref, fvT_ref):
    f32 = jnp.float32
    h1 = jnp.maximum(
        jnp.dot(x_ref[...], W1_ref[...], preferred_element_type=f32)
        + b1_ref[...], 0.0)
    fvT_ref[...] = lax.dot_general(
        W2_ref[...], h1, (((0,), (1,)), ((), ())),
        preferred_element_type=f32) + b2_ref[...]


def _deepset_kernel(x_ref, fvT_ref, batch_ref, W0e_ref, b0_ref, G1W_ref,
                    G1b_ref, L1W_ref, G2W_ref, G2b_ref, L2W_ref, bn_g_ref,
                    bn_b_ref, out_ref):
    f32 = jnp.float32
    x0 = jnp.maximum(
        lax.dot_general(fvT_ref[...], W0e_ref[...], (((0,), (0,)), ((), ())),
                        preferred_element_type=f32)
        + b0_ref[...], 0.0)

    seg_iota = lax.broadcasted_iota(jnp.int32, (_NG, _N), 0)
    onehotT = (batch_ref[...] == seg_iota).astype(f32)
    ones_col = jnp.ones((_N, 1), dtype=f32)
    cnt = jnp.dot(onehotT, ones_col, preferred_element_type=f32)
    inv_cnt = 1.0 / jnp.maximum(cnt, 1.0)

    sums1 = jnp.dot(onehotT, x0, preferred_element_type=f32)
    l1 = jnp.dot(sums1 * inv_cnt, L1W_ref[...], preferred_element_type=f32)
    x1 = jnp.maximum(
        jnp.dot(x0, G1W_ref[...], preferred_element_type=f32) + G1b_ref[...]
        - lax.dot_general(onehotT, l1, (((0,), (0,)), ((), ())),
                          preferred_element_type=f32), 0.0)

    sums2 = jnp.dot(onehotT, x1, preferred_element_type=f32)
    l2 = jnp.dot(sums2 * inv_cnt, L2W_ref[...], preferred_element_type=f32)
    x2 = (jnp.dot(x1, G2W_ref[...], preferred_element_type=f32) + G2b_ref[...]
          - lax.dot_general(onehotT, l2, (((0,), (0,)), ((), ())),
                            preferred_element_type=f32))

    h = jnp.maximum(x2, 0.0)
    mu = jnp.mean(h, axis=0, keepdims=True)
    var = jnp.mean((h - mu) * (h - mu), axis=0, keepdims=True)
    hn = (h - mu) * lax.rsqrt(var + 1e-5)
    out_ref[...] = x_ref[...] + hn * bn_g_ref[...] + bn_b_ref[...]


@functools.cache
def _make_edge_fe_partials():
    @functools.partial(
        pl.kernel,
        mesh=plsc.VectorSubcoreMesh(core_axis_name="c", subcore_axis_name="s"),
        compiler_params=pltpu.CompilerParams(use_tc_tiling_on_sc=False,
                                             needs_layout_passes=False),
        out_type=jax.ShapeDtypeStruct((_NW, 16), jnp.float32),
        scratch_types=[
            pltpu.VMEM((_NF, _N), jnp.float32),
            pltpu.VMEM((_EPW,), jnp.int32),
            pltpu.VMEM((_EPW,), jnp.int32),
            pltpu.VMEM((16,), jnp.float32),
        ],
    )
    def _edge_fe_partials(fvT_hbm, ei_hbm, out_hbm,
                          tbl_v, idx0_all, idx1_all, acc_v):
        wid = lax.axis_index("s") * 2 + lax.axis_index("c")
        base = pl.multiple_of(wid * _EPW, 8)
        pltpu.sync_copy(fvT_hbm, tbl_v)
        pltpu.sync_copy(ei_hbm.at[0, pl.ds(base, _EPW)], idx0_all)
        pltpu.sync_copy(ei_hbm.at[1, pl.ds(base, _EPW)], idx1_all)

        rows = [jnp.full((16,), j, jnp.int32) for j in range(_NF)]

        def body(jb, accs):
            e = jb * 16
            u16 = idx0_all[pl.ds(e, 16)]
            v16 = idx1_all[pl.ds(e, 16)]
            outs = list(accs)
            for j in range(_NF):
                a = plsc.load_gather(tbl_v, [rows[j], u16])
                b = plsc.load_gather(tbl_v, [rows[j], v16])
                outs[j] = outs[j] + jnp.maximum(a, b)
            return tuple(outs)

        zero = jnp.zeros((16,), jnp.float32)
        accs = lax.fori_loop(0, _EPW // 16, body, (zero,) * _NF, unroll=2)

        acc_v[...] = ((accs[0] + accs[1]) + (accs[2] + accs[3])
                      + (accs[4] + accs[5]) + (accs[6] + accs[7]))
        pltpu.sync_copy(acc_v, out_hbm.at[wid])

    return _edge_fe_partials


@jax.jit
def kernel(x, edge_index, batch, W1, b1, W2, b2, W0, b0,
           G1W, G1b, L1W, G2W, G2b, L2W, bn_g, bn_b):
    n, df = x.shape
    W0e = W0[0::2] + W0[1::2]

    fvT = pl.pallas_call(
        _fv_kernel,
        out_shape=jax.ShapeDtypeStruct((_NF, n), jnp.float32),
    )(x, W1, b1.reshape(1, -1), W2, b2.reshape(-1, 1))

    partials = _make_edge_fe_partials()(fvT, edge_index)

    out_main = pl.pallas_call(
        _deepset_kernel,
        out_shape=jax.ShapeDtypeStruct((n, df), jnp.float32),
    )(x, fvT, batch.reshape(1, n), W0e, b0.reshape(1, -1),
      G1W, G1b.reshape(1, -1), L1W, G2W, G2b.reshape(1, -1), L2W,
      bn_g.reshape(1, -1), bn_b.reshape(1, -1))
    return out_main.at[0, 0].add(0.0 * jnp.sum(partials))

# --- scband reference (transcript-rebuilt; emitter-appended) ---
"""Pipeline reference for scband-togl-72413148611005 (READ-ONLY COPY).

The authoritative reference and input builder live on the scoring server;
editing this copy changes nothing except your own understanding.
"""

import jax, jax.numpy as jnp
import numpy as np

N = 10000
E = 320000
DF = 128
NF = 8
HID = 64
OUT = 32
NG = 128


def setup_inputs(seed: int = 0) -> dict:
    key = jax.random.key(seed)
    ks = jax.random.split(key, 20)
    x = jax.random.normal(ks[0], (N, DF), dtype=jnp.float32)
    edge_index = jax.random.randint(ks[1], (2, E), 0, N, dtype=jnp.int32)
    batch = jnp.sort(jax.random.randint(ks[2], (N,), 0, NG, dtype=jnp.int32))
    s = 0.05
    W1 = jax.random.normal(ks[3], (DF, HID), dtype=jnp.float32) * s
    b1 = jnp.zeros((HID,), dtype=jnp.float32)
    W2 = jax.random.normal(ks[4], (HID, NF), dtype=jnp.float32) * s
    b2 = jnp.zeros((NF,), dtype=jnp.float32)
    W0 = jax.random.normal(ks[5], (NF * 2, OUT), dtype=jnp.float32) * s
    b0 = jnp.zeros((OUT,), dtype=jnp.float32)
    G1W = jax.random.normal(ks[6], (OUT, OUT), dtype=jnp.float32) * s
    G1b = jnp.zeros((OUT,), dtype=jnp.float32)
    L1W = jax.random.normal(ks[7], (OUT, OUT), dtype=jnp.float32) * s
    G2W = jax.random.normal(ks[8], (OUT, DF), dtype=jnp.float32) * s
    G2b = jnp.zeros((DF,), dtype=jnp.float32)
    L2W = jax.random.normal(ks[9], (OUT, DF), dtype=jnp.float32) * s
    bn_g = jnp.ones((DF,), dtype=jnp.float32)
    bn_b = jnp.zeros((DF,), dtype=jnp.float32)
    return {"x": x, "edge_index": edge_index, "batch": batch,
            "W1": W1, "b1": b1, "W2": W2, "b2": b2,
            "W0": W0, "b0": b0,
            "G1W": G1W, "G1b": G1b, "L1W": L1W,
            "G2W": G2W, "G2b": G2b, "L2W": L2W,
            "bn_g": bn_g, "bn_b": bn_b}


def reference(x, edge_index, batch, W1, b1, W2, b2, W0, b0,
              G1W, G1b, L1W, G2W, G2b, L2W, bn_g, bn_b):
    # Filtration network: Linear -> ReLU -> Linear
    fv = jax.nn.relu(x @ W1 + b1) @ W2 + b2  # [N, NF]
    # Edge filtration values (max over endpoints), as in compute_persistent_homology
    fe = jnp.maximum(fv[edge_index[0]], fv[edge_index[1]])  # [E, NF]
    # Persistence diagrams: degenerate (birth == death) fallback path of
    # _compute_persistent_homology (gudhi produces no regular generators):
    # persistence_diagram = stack((f_vertices, f_vertices), dim=1)
    fvT = fv.T  # [NF, N]
    pd = jnp.stack([fvT, fvT], axis=-1)  # [NF, N, 2]
    x0 = jnp.transpose(pd, (1, 0, 2)).reshape(N, NF * 2)  # [N, NF*2]
    # set_fn: Linear -> ReLU -> DeepSetLayer -> ReLU -> DeepSetLayer
    x0 = jax.nn.relu(x0 @ W0 + b0)  # [N, OUT]
    cnt = jax.ops.segment_sum(jnp.ones((N,), dtype=jnp.float32), batch, num_segments=NG)
    cnt = jnp.clip(cnt, 1.0)[:, None]
    # DeepSetLayer 1 (mean aggregation)
    xm = jax.ops.segment_sum(x0, batch, num_segments=NG) / cnt
    x0 = (x0 @ G1W + G1b) - (xm @ L1W)[batch]
    x0 = jax.nn.relu(x0)
    # DeepSetLayer 2
    xm = jax.ops.segment_sum(x0, batch, num_segments=NG) / cnt
    x0 = (x0 @ G2W + G2b) - (xm @ L2W)[batch]  # [N, DF]
    # x = x + batch_norm(relu(x0))  (training-mode batch stats)
    h = jax.nn.relu(x0)
    mu = jnp.mean(h, axis=0)
    var = jnp.var(h, axis=0)
    hn = (h - mu) / jnp.sqrt(var + 1e-5)
    out = x + hn * bn_g + bn_b
    # fe is consumed by the (degenerate) persistence computation; keep it live
    out = out + 0.0 * jnp.sum(fe)
    return out

if __name__ == "__main__":
    import jax
    _d = setup_inputs()
    print(jax.jit(kernel)(*tuple(_d.values())))

</pallas_src>

<mosaic_0001>
#map = affine_map<(d0, d1) -> (0, 0)>
module attributes {stable_mosaic.version = 14 : i64} {
  func.func @_edge_fe_partials(%arg0: i32, %arg1: i32, %arg2: memref<8x10000xf32, #tpu.memory_space<hbm>>, %arg3: memref<2x320000xi32, #tpu.memory_space<hbm>>, %arg4: memref<32x16xf32, #tpu.memory_space<hbm>>, %arg5: memref<8x10000xf32, #tpu.memory_space<vmem>>, %arg6: memref<10000xi32, #tpu.memory_space<vmem>>, %arg7: memref<10000xi32, #tpu.memory_space<vmem>>, %arg8: memref<16xf32, #tpu.memory_space<vmem>>) attributes {dimension_semantics = [#tpu.dimension_semantics<core_parallel>, #tpu.dimension_semantics<subcore_parallel>], iteration_bounds = array<i64: 2, 16>, scalar_prefetch = 0 : i64, scratch_operands = 4 : i64, tpu.core_type = #tpu.core_type<sc_vector_subcore>, window_params = [{transform_indices = #map}, {transform_indices = #map}, {transform_indices = #map}]} {
    %mul3A = arith.constant 2 : i32
    %mul3A_0 = arith.muli %arg1, %mul3A : i32
    %add3A = arith.addi %mul3A_0, %arg0 : i32
    %mul3A_1 = arith.constant 10000 : i32
    %mul3A_2 = arith.muli %add3A, %mul3A_1 : i32
    %multiple_of3A = tpu.assume_multiple %mul3A_2, 8 : i32
    "tpu.region"() ({
      %run_scoped3A_71 = tpu.sem_alloc : memref<!tpu.dma_semaphore, #tpu.memory_space<semaphore_mem>>
      tpu.enqueue_dma source(%arg2 : memref<8x10000xf32, #tpu.memory_space<hbm>>) target(%arg5 : memref<8x10000xf32, #tpu.memory_space<vmem>>) target_semaphore(%run_scoped3A_71 : memref<!tpu.dma_semaphore, #tpu.memory_space<semaphore_mem>>)
      tpu.wait_dma2 semaphore(%run_scoped3A_71 : memref<!tpu.dma_semaphore, #tpu.memory_space<semaphore_mem>>) src(%arg2 : memref<8x10000xf32, #tpu.memory_space<hbm>>) dst(%arg5 : memref<8x10000xf32, #tpu.memory_space<vmem>>)
      tpu.yield
    }) : () -> ()
    %run_scoped3A = arith.constant 0 : i32
    "tpu.region"() ({
      %run_scoped3A_71 = tpu.sem_alloc : memref<!tpu.dma_semaphore, #tpu.memory_space<semaphore_mem>>
      %dma_start3A = tpu.memref_slice %arg3[%run_scoped3A, %multiple_of3A] : memref<2x320000xi32, #tpu.memory_space<hbm>> -> memref<1x10000xi32, #tpu.memory_space<hbm>>
      %dma_start3A_72 = tpu.memref_squeeze %dma_start3A : memref<1x10000xi32, #tpu.memory_space<hbm>> -> memref<10000xi32, #tpu.memory_space<hbm>>
      %dma_start3A_73 = tpu.memref_slice %arg3[%run_scoped3A, %multiple_of3A] : memref<2x320000xi32, #tpu.memory_space<hbm>> -> memref<1x10000xi32, #tpu.memory_space<hbm>>
      %dma_start3A_74 = tpu.memref_squeeze %dma_start3A_73 : memref<1x10000xi32, #tpu.memory_space<hbm>> -> memref<10000xi32, #tpu.memory_space<hbm>>
      tpu.enqueue_dma source(%dma_start3A_74 : memref<10000xi32, #tpu.memory_space<hbm>>) target(%arg6 : memref<10000xi32, #tpu.memory_space<vmem>>) target_semaphore(%run_scoped3A_71 : memref<!tpu.dma_semaphore, #tpu.memory_space<semaphore_mem>>)
      %dma_wait3A = tpu.memref_slice %arg3[%run_scoped3A, %multiple_of3A] : memref<2x320000xi32, #tpu.memory_space<hbm>> -> memref<1x10000xi32, #tpu.memory_space<hbm>>
      %dma_wait3A_75 = tpu.memref_squeeze %dma_wait3A : memref<1x10000xi32, #tpu.memory_space<hbm>> -> memref<10000xi32, #tpu.memory_space<hbm>>
      %dma_wait3A_76 = tpu.memref_slice %arg3[%run_scoped3A, %multiple_of3A] : memref<2x320000xi32, #tpu.memory_space<hbm>> -> memref<1x10000xi32, #tpu.memory_space<hbm>>
      %dma_wait3A_77 = tpu.memref_squeeze %dma_wait3A_76 : memref<1x10000xi32, #tpu.memory_space<hbm>> -> memref<10000xi32, #tpu.memory_space<hbm>>
      tpu.wait_dma2 semaphore(%run_scoped3A_71 : memref<!tpu.dma_semaphore, #tpu.memory_space<semaphore_mem>>) src(%dma_wait3A_77 : memref<10000xi32, #tpu.memory_space<hbm>>) dst(%arg6 : memref<10000xi32, #tpu.memory_space<vmem>>)
      tpu.yield
    }) : () -> ()
    %run_scoped3A_3 = arith.constant 1 : i32
    "tpu.region"() ({
      %run_scoped3A_71 = tpu.sem_alloc : memref<!tpu.dma_semaphore, #tpu.memory_space<semaphore_mem>>
      %dma_start3A = tpu.memref_slice %arg3[%run_scoped3A_3, %multiple_of3A] : memref<2x320000xi32, #tpu.memory_space<hbm>> -> memref<1x10000xi32, #tpu.memory_space<hbm>>
      %dma_start3A_72 = tpu.memref_squeeze %dma_start3A : memref<1x10000xi32, #tpu.memory_space<hbm>> -> memref<10000xi32, #tpu.memory_space<hbm>>
      %dma_start3A_73 = tpu.memref_slice %arg3[%run_scoped3A_3, %multiple_of3A] : memref<2x320000xi32, #tpu.memory_space<hbm>> -> memref<1x10000xi32, #tpu.memory_space<hbm>>
      %dma_start3A_74 = tpu.memref_squeeze %dma_start3A_73 : memref<1x10000xi32, #tpu.memory_space<hbm>> -> memref<10000xi32, #tpu.memory_space<hbm>>
      tpu.enqueue_dma source(%dma_start3A_74 : memref<10000xi32, #tpu.memory_space<hbm>>) target(%arg7 : memref<10000xi32, #tpu.memory_space<vmem>>) target_semaphore(%run_scoped3A_71 : memref<!tpu.dma_semaphore, #tpu.memory_space<semaphore_mem>>)
      %dma_wait3A = tpu.memref_slice %arg3[%run_scoped3A_3, %multiple_of3A] : memref<2x320000xi32, #tpu.memory_space<hbm>> -> memref<1x10000xi32, #tpu.memory_space<hbm>>
      %dma_wait3A_75 = tpu.memref_squeeze %dma_wait3A : memref<1x10000xi32, #tpu.memory_space<hbm>> -> memref<10000xi32, #tpu.memory_space<hbm>>
      %dma_wait3A_76 = tpu.memref_slice %arg3[%run_scoped3A_3, %multiple_of3A] : memref<2x320000xi32, #tpu.memory_space<hbm>> -> memref<1x10000xi32, #tpu.memory_space<hbm>>
      %dma_wait3A_77 = tpu.memref_squeeze %dma_wait3A_76 : memref<1x10000xi32, #tpu.memory_space<hbm>> -> memref<10000xi32, #tpu.memory_space<hbm>>
      tpu.wait_dma2 semaphore(%run_scoped3A_71 : memref<!tpu.dma_semaphore, #tpu.memory_space<semaphore_mem>>) src(%dma_wait3A_77 : memref<10000xi32, #tpu.memory_space<hbm>>) dst(%arg7 : memref<10000xi32, #tpu.memory_space<vmem>>)
      tpu.yield
    }) : () -> ()
    %broadcast_in_dim3A = arith.constant 0 : i32
    %broadcast_in_dim3A_4 = vector.broadcast %broadcast_in_dim3A : i32 to vector<16xi32>
    %broadcast_in_dim3A_5 = arith.constant 1 : i32
    %broadcast_in_dim3A_6 = vector.broadcast %broadcast_in_dim3A_5 : i32 to vector<16xi32>
    %broadcast_in_dim3A_7 = arith.constant 2 : i32
    %broadcast_in_dim3A_8 = vector.broadcast %broadcast_in_dim3A_7 : i32 to vector<16xi32>
    %broadcast_in_dim3A_9 = arith.constant 3 : i32
    %broadcast_in_dim3A_10 = vector.broadcast %broadcast_in_dim3A_9 : i32 to vector<16xi32>
    %broadcast_in_dim3A_11 = arith.constant 4 : i32
    %broadcast_in_dim3A_12 = vector.broadcast %broadcast_in_dim3A_11 : i32 to vector<16xi32>
    %broadcast_in_dim3A_13 = arith.constant 5 : i32
    %broadcast_in_dim3A_14 = vector.broadcast %broadcast_in_dim3A_13 : i32 to vector<16xi32>
    %broadcast_in_dim3A_15 = arith.constant 6 : i32
    %broadcast_in_dim3A_16 = vector.broadcast %broadcast_in_dim3A_15 : i32 to vector<16xi32>
    %broadcast_in_dim3A_17 = arith.constant 7 : i32
    %broadcast_in_dim3A_18 = vector.broadcast %broadcast_in_dim3A_17 : i32 to vector<16xi32>
    %broadcast_in_dim3A_19 = arith.constant 0.000000e+00 : f32
    %broadcast_in_dim3A_20 = vector.broadcast %broadcast_in_dim3A_19 : f32 to vector<16xf32>
    %scan3A = arith.constant 0 : i32
    %scan3A_21 = arith.constant 624 : i32
    %scan3A_22 = arith.addi %scan3A, %scan3A_21 : i32
    %scan3A_23 = arith.constant 2 : i32
    %scan3A_24:8 = scf.for %scan3A_71 = %scan3A to %scan3A_22 step %scan3A_23 iter_args(%scan3A_72 = %broadcast_in_dim3A_20, %scan3A_73 = %broadcast_in_dim3A_20, %scan3A_74 = %broadcast_in_dim3A_20, %scan3A_75 = %broadcast_in_dim3A_20, %scan3A_76 = %broadcast_in_dim3A_20, %scan3A_77 = %broadcast_in_dim3A_20, %scan3A_78 = %broadcast_in_dim3A_20, %scan3A_79 = %broadcast_in_dim3A_20) -> (vector<16xf32>, vector<16xf32>, vector<16xf32>, vector<16xf32>, vector<16xf32>, vector<16xf32>, vector<16xf32>, vector<16xf32>)  : i32 {
      %mul3A_80 = arith.constant 16 : i32
      %mul3A_81 = arith.muli %scan3A_71, %mul3A_80 : i32
      %get3A_82 = arith.index_cast %mul3A_81 : i32 to index
      %get3A_83 = tpu.vector_load %arg6[%get3A_82] {strides = array<i32>} : memref<10000xi32, #tpu.memory_space<vmem>>, vector<16xi32>,
      %get3A_84 = arith.index_cast %mul3A_81 : i32 to index
      %get3A_85 = tpu.vector_load %arg7[%get3A_84] {strides = array<i32>} : memref<10000xi32, #tpu.memory_space<vmem>>, vector<16xi32>,
      %gather3A_86 = tpu.vector_load_idx %arg5[%broadcast_in_dim3A_4, %get3A_83] : memref<8x10000xf32, #tpu.memory_space<vmem>>[vector<16xi32>, vector<16xi32>], vector<16xf32>,
      %gather3A_87 = tpu.vector_load_idx %arg5[%broadcast_in_dim3A_4, %get3A_85] : memref<8x10000xf32, #tpu.memory_space<vmem>>[vector<16xi32>, vector<16xi32>], vector<16xf32>,
      %max3A_88 = arith.maximumf %gather3A_86, %gather3A_87 : vector<16xf32>
      %add3A_89 = arith.addf %scan3A_72, %max3A_88 : vector<16xf32>
      %gather3A_90 = tpu.vector_load_idx %arg5[%broadcast_in_dim3A_6, %get3A_83] : memref<8x10000xf32, #tpu.memory_space<vmem>>[vector<16xi32>, vector<16xi32>], vector<16xf32>,
      %gather3A_91 = tpu.vector_load_idx %arg5[%broadcast_in_dim3A_6, %get3A_85] : memref<8x10000xf32, #tpu.memory_space<vmem>>[vector<16xi32>, vector<16xi32>], vector<16xf32>,
      %max3A_92 = arith.maximumf %gather3A_90, %gather3A_91 : vector<16xf32>
      %add3A_93 = arith.addf %scan3A_73, %max3A_92 : vector<16xf32>
      %gather3A_94 = tpu.vector_load_idx %arg5[%broadcast_in_dim3A_8, %get3A_83] : memref<8x10000xf32, #tpu.memory_space<vmem>>[vector<16xi32>, vector<16xi32>], vector<16xf32>,
      %gather3A_95 = tpu.vector_load_idx %arg5[%broadcast_in_dim3A_8, %get3A_85] : memref<8x10000xf32, #tpu.memory_space<vmem>>[vector<16xi32>, vector<16xi32>], vector<16xf32>,
      %max3A_96 = arith.maximumf %gather3A_94, %gather3A_95 : vector<16xf32>
      %add3A_97 = arith.addf %scan3A_74, %max3A_96 : vector<16xf32>
      %gather3A_98 = tpu.vector_load_idx %arg5[%broadcast_in_dim3A_10, %get3A_83] : memref<8x10000xf32, #tpu.memory_space<vmem>>[vector<16xi32>, vector<16xi32>], vector<16xf32>,
      %gather3A_99 = tpu.vector_load_idx %arg5[%broadcast_in_dim3A_10, %get3A_85] : memref<8x10000xf32, #tpu.memory_space<vmem>>[vector<16xi32>, vector<16xi32>], vector<16xf32>,
      %max3A_100 = arith.maximumf %gather3A_98, %gather3A_99 : vector<16xf32>
      %add3A_101 = arith.addf %scan3A_75, %max3A_100 : vector<16xf32>
      %gather3A_102 = tpu.vector_load_idx %arg5[%broadcast_in_dim3A_12, %get3A_83] : memref<8x10000xf32, #tpu.memory_space<vmem>>[vector<16xi32>, vector<16xi32>], vector<16xf32>,
      %gather3A_103 = tpu.vector_load_idx %arg5[%broadcast_in_dim3A_12, %get3A_85] : memref<8x10000xf32, #tpu.memory_space<vmem>>[vector<16xi32>, vector<16xi32>], vector<16xf32>,
      %max3A_104 = arith.maximumf %gather3A_102, %gather3A_103 : vector<16xf32>
      %add3A_105 = arith.addf %scan3A_76, %max3A_104 : vector<16xf32>
      %gather3A_106 = tpu.vector_load_idx %arg5[%broadcast_in_dim3A_14, %get3A_83] : memref<8x10000xf32, #tpu.memory_space<vmem>>[vector<16xi32>, vector<16xi32>], vector<16xf32>,
      %gather3A_107 = tpu.vector_load_idx %arg5[%broadcast_in_dim3A_14, %get3A_85] : memref<8x10000xf32, #tpu.memory_space<vmem>>[vector<16xi32>, vector<16xi32>], vector<16xf32>,
      %max3A_108 = arith.maximumf %gather3A_106, %gather3A_107 : vector<16xf32>
      %add3A_109 = arith.addf %scan3A_77, %max3A_108 : vector<16xf32>
      %gather3A_110 = tpu.vector_load_idx %arg5[%broadcast_in_dim3A_16, %get3A_83] : memref<8x10000xf32, #tpu.memory_space<vmem>>[vector<16xi32>, vector<16xi32>], vector<16xf32>,
      %gather3A_111 = tpu.vector_load_idx %arg5[%broadcast_in_dim3A_16, %get3A_85] : memref<8x10000xf32, #tpu.memory_space<vmem>>[vector<16xi32>, vector<16xi32>], vector<16xf32>,
      %max3A_112 = arith.maximumf %gather3A_110, %gather3A_111 : vector<16xf32>
      %add3A_113 = arith.addf %scan3A_78, %max3A_112 : vector<16xf32>
      %gather3A_114 = tpu.vector_load_idx %arg5[%broadcast_in_dim3A_18, %get3A_83] : memref<8x10000xf32, #tpu.memory_space<vmem>>[vector<16xi32>, vector<16xi32>], vector<16xf32>,
      %gather3A_115 = tpu.vector_load_idx %arg5[%broadcast_in_dim3A_18, %get3A_85] : memref<8x10000xf32, #tpu.memory_space<vmem>>[vector<16xi32>, vector<16xi32>], vector<16xf32>,
      %max3A_116 = arith.maximumf %gather3A_114, %gather3A_115 : vector<16xf32>
      %add3A_117 = arith.addf %scan3A_79, %max3A_116 : vector<16xf32>
      %scan3A_118 = arith.constant 1 : i32
      %scan3A_119 = arith.addi %scan3A_71, %scan3A_118 : i32
      %mul3A_120 = arith.constant 16 : i32
      %mul3A_121 = arith.muli %scan3A_119, %mul3A_120 : i32
      %get3A_122 = arith.index_cast %mul3A_121 : i32 to index
      %get3A_123 = tpu.vector_load %arg6[%get3A_122] {strides = array<i32>} : memref<10000xi32, #tpu.memory_space<vmem>>, vector<16xi32>,
      %get3A_124 = arith.index_cast %mul3A_121 : i32 to index
      %get3A_125 = tpu.vector_load %arg7[%get3A_124] {strides = array<i32>} : memref<10000xi32, #tpu.memory_space<vmem>>, vector<16xi32>,
      %gather3A_126 = tpu.vector_load_idx %arg5[%broadcast_in_dim3A_4, %get3A_123] : memref<8x10000xf32, #tpu.memory_space<vmem>>[vector<16xi32>, vector<16xi32>], vector<16xf32>,
      %gather3A_127 = tpu.vector_load_idx %arg5[%broadcast_in_dim3A_4, %get3A_125] : memref<8x10000xf32, #tpu.memory_space<vmem>>[vector<16xi32>, vector<16xi32>], vector<16xf32>,
      %max3A_128 = arith.maximumf %gather3A_126, %gather3A_127 : vector<16xf32>
      %add3A_129 = arith.addf %add3A_89, %max3A_128 : vector<16xf32>
      %gather3A_130 = tpu.vector_load_idx %arg5[%broadcast_in_dim3A_6, %get3A_123] : memref<8x10000xf32, #tpu.memory_space<vmem>>[vector<16xi32>, vector<16xi32>], vector<16xf32>,
      %gather3A_131 = tpu.vector_load_idx %arg5[%broadcast_in_dim3A_6, %get3A_125] : memref<8x10000xf32, #tpu.memory_space<vmem>>[vector<16xi32>, vector<16xi32>], vector<16xf32>,
      %max3A_132 = arith.maximumf %gather3A_130, %gather3A_131 : vector<16xf32>
      %add3A_133 = arith.addf %add3A_93, %max3A_132 : vector<16xf32>
      %gather3A_134 = tpu.vector_load_idx %arg5[%broadcast_in_dim3A_8, %get3A_123] : memref<8x10000xf32, #tpu.memory_space<vmem>>[vector<16xi32>, vector<16xi32>], vector<16xf32>,
      %gather3A_135 = tpu.vector_load_idx %arg5[%broadcast_in_dim3A_8, %get3A_125] : memref<8x10000xf32, #tpu.memory_space<vmem>>[vector<16xi32>, vector<16xi32>], vector<16xf32>,
      %max3A_136 = arith.maximumf %gather3A_134, %gather3A_135 : vector<16xf32>
      %add3A_137 = arith.addf %add3A_97, %max3A_136 : vector<16xf32>
      %gather3A_138 = tpu.vector_load_idx %arg5[%broadcast_in_dim3A_10, %get3A_123] : memref<8x10000xf32, #tpu.memory_space<vmem>>[vector<16xi32>, vector<16xi32>], vector<16xf32>,
      %gather3A_139 = tpu.vector_load_idx %arg5[%broadcast_in_dim3A_10, %get3A_125] : memref<8x10000xf32, #tpu.memory_space<vmem>>[vector<16xi32>, vector<16xi32>], vector<16xf32>,
      %max3A_140 = arith.maximumf %gather3A_138, %gather3A_139 : vector<16xf32>
      %add3A_141 = arith.addf %add3A_101, %max3A_140 : vector<16xf32>
      %gather3A_142 = tpu.vector_load_idx %arg5[%broadcast_in_dim3A_12, %get3A_123] : memref<8x10000xf32, #tpu.memory_space<vmem>>[vector<16xi32>, vector<16xi32>], vector<16xf32>,
      %gather3A_143 = tpu.vector_load_idx %arg5[%broadcast_in_dim3A_12, %get3A_125] : memref<8x10000xf32, #tpu.memory_space<vmem>>[vector<16xi32>, vector<16xi32>], vector<16xf32>,
      %max3A_144 = arith.maximumf %gather3A_142, %gather3A_143 : vector<16xf32>
      %add3A_145 = arith.addf %add3A_105, %max3A_144 : vector<16xf32>
      %gather3A_146 = tpu.vector_load_idx %arg5[%broadcast_in_dim3A_14, %get3A_123] : memref<8x10000xf32, #tpu.memory_space<vmem>>[vector<16xi32>, vector<16xi32>], vector<16xf32>,
      %gather3A_147 = tpu.vector_load_idx %arg5[%broadcast_in_dim3A_14, %get3A_125] : memref<8x10000xf32, #tpu.memory_space<vmem>>[vector<16xi32>, vector<16xi32>], vector<16xf32>,
      %max3A_148 = arith.maximumf %gather3A_146, %gather3A_147 : vector<16xf32>
      %add3A_149 = arith.addf %add3A_109, %max3A_148 : vector<16xf32>
      %gather3A_150 = tpu.vector_load_idx %arg5[%broadcast_in_dim3A_16, %get3A_123] : memref<8x10000xf32, #tpu.memory_space<vmem>>[vector<16xi32>, vector<16xi32>], vector<16xf32>,
      %gather3A_151 = tpu.vector_load_idx %arg5[%broadcast_in_dim3A_16, %get3A_125] : memref<8x10000xf32, #tpu.memory_space<vmem>>[vector<16xi32>, vector<16xi32>], vector<16xf32>,
      %max3A_152 = arith.maximumf %gather3A_150, %gather3A_151 : vector<16xf32>
      %add3A_153 = arith.addf %add3A_113, %max3A_152 : vector<16xf32>
      %gather3A_154 = tpu.vector_load_idx %arg5[%broadcast_in_dim3A_18, %get3A_123] : memref<8x10000xf32, #tpu.memory_space<vmem>>[vector<16xi32>, vector<16xi32>], vector<16xf32>,
      %gather3A_155 = tpu.vector_load_idx %arg5[%broadcast_in_dim3A_18, %get3A_125] : memref<8x10000xf32, #tpu.memory_space<vmem>>[vector<16xi32>, vector<16xi32>], vector<16xf32>,
      %max3A_156 = arith.maximumf %gather3A_154, %gather3A_155 : vector<16xf32>
      %add3A_157 = arith.addf %add3A_117, %max3A_156 : vector<16xf32>
      scf.yield %add3A_129, %add3A_133, %add3A_137, %add3A_141, %add3A_145, %add3A_149, %add3A_153, %add3A_157 : vector<16xf32>, vector<16xf32>, vector<16xf32>, vector<16xf32>, vector<16xf32>, vector<16xf32>, vector<16xf32>, vector<16xf32>
    }
    %scan3A_25 = arith.constant 624 : i32
    %scan3A_26 = arith.addi %scan3A, %scan3A_25 : i32
    %mul3A_27 = arith.constant 16 : i32
    %mul3A_28 = arith.muli %scan3A_26, %mul3A_27 : i32
    %get3A = arith.index_cast %mul3A_28 : i32 to index
    %get3A_29 = tpu.vector_load %arg6[%get3A] {strides = array<i32>} : memref<10000xi32, #tpu.memory_space<vmem>>, vector<16xi32>,
    %get3A_30 = arith.index_cast %mul3A_28 : i32 to index
    %get3A_31 = tpu.vector_load %arg7[%get3A_30] {strides = array<i32>} : memref<10000xi32, #tpu.memory_space<vmem>>, vector<16xi32>,
    %gather3A = tpu.vector_load_idx %arg5[%broadcast_in_dim3A_4, %get3A_29] : memref<8x10000xf32, #tpu.memory_space<vmem>>[vector<16xi32>, vector<16xi32>], vector<16xf32>,
    %gather3A_32 = tpu.vector_load_idx %arg5[%broadcast_in_dim3A_4, %get3A_31] : memref<8x10000xf32, #tpu.memory_space<vmem>>[vector<16xi32>, vector<16xi32>], vector<16xf32>,
    %max3A = arith.maximumf %gather3A, %gather3A_32 : vector<16xf32>
    %add3A_33 = arith.addf %scan3A_24#0, %max3A : vector<16xf32>
    %gather3A_34 = tpu.vector_load_idx %arg5[%broadcast_in_dim3A_6, %get3A_29] : memref<8x10000xf32, #tpu.memory_space<vmem>>[vector<16xi32>, vector<16xi32>], vector<16xf32>,
    %gather3A_35 = tpu.vector_load_idx %arg5[%broadcast_in_dim3A_6, %get3A_31] : memref<8x10000xf32, #tpu.memory_space<vmem>>[vector<16xi32>, vector<16xi32>], vector<16xf32>,
    %max3A_36 = arith.maximumf %gather3A_34, %gather3A_35 : vector<16xf32>
    %add3A_37 = arith.addf %scan3A_24#1, %max3A_36 : vector<16xf32>
    %gather3A_38 = tpu.vector_load_idx %arg5[%broadcast_in_dim3A_8, %get3A_29] : memref<8x10000xf32, #tpu.memory_space<vmem>>[vector<16xi32>, vector<16xi32>], vector<16xf32>,
    %gather3A_39 = tpu.vector_load_idx %arg5[%broadcast_in_dim3A_8, %get3A_31] : memref<8x10000xf32, #tpu.memory_space<vmem>>[vector<16xi32>, vector<16xi32>], vector<16xf32>,
    %max3A_40 = arith.maximumf %gather3A_38, %gather3A_39 : vector<16xf32>
    %add3A_41 = arith.addf %scan3A_24#2, %max3A_40 : vector<16xf32>
    %gather3A_42 = tpu.vector_load_idx %arg5[%broadcast_in_dim3A_10, %get3A_29] : memref<8x10000xf32, #tpu.memory_space<vmem>>[vector<16xi32>, vector<16xi32>], vector<16xf32>,
    %gather3A_43 = tpu.vector_load_idx %arg5[%broadcast_in_dim3A_10, %get3A_31] : memref<8x10000xf32, #tpu.memory_space<vmem>>[vector<16xi32>, vector<16xi32>], vector<16xf32>,
    %max3A_44 = arith.maximumf %gather3A_42, %gather3A_43 : vector<16xf32>
    %add3A_45 = arith.addf %scan3A_24#3, %max3A_44 : vector<16xf32>
    %gather3A_46 = tpu.vector_load_idx %arg5[%broadcast_in_dim3A_12, %get3A_29] : memref<8x10000xf32, #tpu.memory_space<vmem>>[vector<16xi32>, vector<16xi32>], vector<16xf32>,
    %gather3A_47 = tpu.vector_load_idx %arg5[%broadcast_in_dim3A_12, %get3A_31] : memref<8x10000xf32, #tpu.memory_space<vmem>>[vector<16xi32>, vector<16xi32>], vector<16xf32>,
    %max3A_48 = arith.maximumf %gather3A_46, %gather3A_47 : vector<16xf32>
    %add3A_49 = arith.addf %scan3A_24#4, %max3A_48 : vector<16xf32>
    %gather3A_50 = tpu.vector_load_idx %arg5[%broadcast_in_dim3A_14, %get3A_29] : memref<8x10000xf32, #tpu.memory_space<vmem>>[vector<16xi32>, vector<16xi32>], vector<16xf32>,
    %gather3A_51 = tpu.vector_load_idx %arg5[%broadcast_in_dim3A_14, %get3A_31] : memref<8x10000xf32, #tpu.memory_space<vmem>>[vector<16xi32>, vector<16xi32>], vector<16xf32>,
    %max3A_52 = arith.maximumf %gather3A_50, %gather3A_51 : vector<16xf32>
    %add3A_53 = arith.addf %scan3A_24#5, %max3A_52 : vector<16xf32>
    %gather3A_54 = tpu.vector_load_idx %arg5[%broadcast_in_dim3A_16, %get3A_29] : memref<8x10000xf32, #tpu.memory_space<vmem>>[vector<16xi32>, vector<16xi32>], vector<16xf32>,
    %gather3A_55 = tpu.vector_load_idx %arg5[%broadcast_in_dim3A_16, %get3A_31] : memref<8x10000xf32, #tpu.memory_space<vmem>>[vector<16xi32>, vector<16xi32>], vector<16xf32>,
    %max3A_56 = arith.maximumf %gather3A_54, %gather3A_55 : vector<16xf32>
    %add3A_57 = arith.addf %scan3A_24#6, %max3A_56 : vector<16xf32>
    %gather3A_58 = tpu.vector_load_idx %arg5[%broadcast_in_dim3A_18, %get3A_29] : memref<8x10000xf32, #tpu.memory_space<vmem>>[vector<16xi32>, vector<16xi32>], vector<16xf32>,
    %gather3A_59 = tpu.vector_load_idx %arg5[%broadcast_in_dim3A_18, %get3A_31] : memref<8x10000xf32, #tpu.memory_space<vmem>>[vector<16xi32>, vector<16xi32>], vector<16xf32>,
    %max3A_60 = arith.maximumf %gather3A_58, %gather3A_59 : vector<16xf32>
    %add3A_61 = arith.addf %scan3A_24#7, %max3A_60 : vector<16xf32>
    %scan3A_62 = arith.constant 625 : i32
    %add3A_63 = arith.addf %add3A_33, %add3A_37 : vector<16xf32>
    %add3A_64 = arith.addf %add3A_41, %add3A_45 : vector<16xf32>
    %add3A_65 = arith.addf %add3A_63, %add3A_64 : vector<16xf32>
    %add3A_66 = arith.addf %add3A_49, %add3A_53 : vector<16xf32>
    %add3A_67 = arith.addf %add3A_65, %add3A_66 : vector<16xf32>
    %add3A_68 = arith.addf %add3A_57, %add3A_61 : vector<16xf32>
    %add3A_69 = arith.addf %add3A_67, %add3A_68 : vector<16xf32>
    %swap3A = arith.constant 0 : index
    %swap3A_70 = tpu.vector_load %arg8[%swap3A] {strides = array<i32>} : memref<16xf32, #tpu.memory_space<vmem>>, vector<16xf32>,
    tpu.vector_store %arg8[%swap3A], %add3A_69 {strides = array<i32>} : memref<16xf32, #tpu.memory_space<vmem>>, vector<16xf32>,
    "tpu.region"() ({
      %run_scoped3A_71 = tpu.sem_alloc : memref<!tpu.dma_semaphore, #tpu.memory_space<semaphore_mem>>
      %dma_start3A = arith.constant 0 : i32
      %dma_start3A_72 = tpu.memref_slice %arg4[%add3A, %dma_start3A] : memref<32x16xf32, #tpu.memory_space<hbm>> -> memref<1x16xf32, #tpu.memory_space<hbm>>
      %dma_start3A_73 = tpu.memref_squeeze %dma_start3A_72 : memref<1x16xf32, #tpu.memory_space<hbm>> -> memref<16xf32, #tpu.memory_space<hbm>>
      %dma_start3A_74 = arith.constant 0 : i32
      %dma_start3A_75 = tpu.memref_slice %arg4[%add3A, %dma_start3A_74] : memref<32x16xf32, #tpu.memory_space<hbm>> -> memref<1x16xf32, #tpu.memory_space<hbm>>
      %dma_start3A_76 = tpu.memref_squeeze %dma_start3A_75 : memref<1x16xf32, #tpu.memory_space<hbm>> -> memref<16xf32, #tpu.memory_space<hbm>>
      tpu.enqueue_dma source(%arg8 : memref<16xf32, #tpu.memory_space<vmem>>) target(%dma_start3A_76 : memref<16xf32, #tpu.memory_space<hbm>>) target_semaphore(%run_scoped3A_71 : memref<!tpu.dma_semaphore, #tpu.memory_space<semaphore_mem>>)
      %dma_wait3A = arith.constant 0 : i32
      %dma_wait3A_77 = tpu.memref_slice %arg4[%add3A, %dma_wait3A] : memref<32x16xf32, #tpu.memory_space<hbm>> -> memref<1x16xf32, #tpu.memory_space<hbm>>
      %dma_wait3A_78 = tpu.memref_squeeze %dma_wait3A_77 : memref<1x16xf32, #tpu.memory_space<hbm>> -> memref<16xf32, #tpu.memory_space<hbm>>
      %dma_wait3A_79 = arith.constant 0 : i32
      %dma_wait3A_80 = tpu.memref_slice %arg4[%add3A, %dma_wait3A_79] : memref<32x16xf32, #tpu.memory_space<hbm>> -> memref<1x16xf32, #tpu.memory_space<hbm>>
      %dma_wait3A_81 = tpu.memref_squeeze %dma_wait3A_80 : memref<1x16xf32, #tpu.memory_space<hbm>> -> memref<16xf32, #tpu.memory_space<hbm>>
      tpu.wait_dma2 semaphore(%run_scoped3A_71 : memref<!tpu.dma_semaphore, #tpu.memory_space<semaphore_mem>>) src(%arg8 : memref<16xf32, #tpu.memory_space<vmem>>) dst(%dma_wait3A_81 : memref<16xf32, #tpu.memory_space<hbm>>)
      tpu.yield
    }) : () -> ()
    return
  }
}

module attributes {stable_mosaic.version = 14 : i64} {
  func.func @_fv_kernel(%arg0: memref<10000x128xf32, #tpu.memory_space<vmem>>, %arg1: memref<128x64xf32, #tpu.memory_space<vmem>>, %arg2: memref<1x64xf32, #tpu.memory_space<vmem>>, %arg3: memref<64x8xf32, #tpu.memory_space<vmem>>, %arg4: memref<8x1xf32, #tpu.memory_space<vmem>>, %arg5: memref<8x10000xf32, #tpu.memory_space<vmem>>) attributes {dimension_semantics = [], scalar_prefetch = 0 : i64, scratch_operands = 0 : i64, tpu.core_type = #tpu.core_type<tc>} {
    %get3A = arith.constant 0 : index
    %get3A_0 = arith.constant 0 : index
    %get3A_1 = vector.load %arg0[%get3A, %get3A_0] : memref<10000x128xf32, #tpu.memory_space<vmem>>, vector<10000x128xf32>
    %get3A_2 = arith.constant 0 : index
    %get3A_3 = arith.constant 0 : index
    %get3A_4 = vector.load %arg1[%get3A_2, %get3A_3] : memref<128x64xf32, #tpu.memory_space<vmem>>, vector<128x64xf32>
    %dot_general3A = arith.constant dense<0.000000e+00> : vector<10000x64xf32>
    %dot_general3A_5 = tpu.matmul %get3A_1, %get3A_4, %dot_general3A {dimension_numbers = #tpu.dot_dimension_numbers<[1], [0], [0], [1], [0, 0, 1, 1], [], []>, transpose_lhs_hint = false} : vector<10000x128xf32>, vector<128x64xf32>, vector<10000x64xf32> -> vector<10000x64xf32>
    %get3A_6 = arith.constant 0 : index
    %get3A_7 = arith.constant 0 : index
    %get3A_8 = vector.load %arg2[%get3A_6, %get3A_7] : memref<1x64xf32, #tpu.memory_space<vmem>>, vector<1x64xf32>
    %add3A = vector.broadcast %get3A_8 : vector<1x64xf32> to vector<10000x64xf32>
    %add3A_9 = arith.addf %dot_general3A_5, %add3A : vector<10000x64xf32>
    %max3A = arith.constant 0.000000e+00 : f32
    %max3A_10 = vector.broadcast %max3A : f32 to vector<10000x64xf32>
    %max3A_11 = arith.maximumf %add3A_9, %max3A_10 : vector<10000x64xf32>
    %get3A_12 = arith.constant 0 : index
    %get3A_13 = arith.constant 0 : index
    %get3A_14 = vector.load %arg3[%get3A_12, %get3A_13] : memref<64x8xf32, #tpu.memory_space<vmem>>, vector<64x8xf32>
    %dot_general3A_15 = arith.constant dense<0.000000e+00> : vector<8x10000xf32>
    %dot_general3A_16 = tpu.matmul %get3A_14, %max3A_11, %dot_general3A_15 {dimension_numbers = #tpu.dot_dimension_numbers<[0], [1], [1], [0], [0, 1, 1, 0], [], []>, transpose_lhs_hint = false} : vector<64x8xf32>, vector<10000x64xf32>, vector<8x10000xf32> -> vector<8x10000xf32>
    %get3A_17 = arith.constant 0 : index
    %get3A_18 = arith.constant 0 : index
    %get3A_19 = vector.load %arg4[%get3A_17, %get3A_18] : memref<8x1xf32, #tpu.memory_space<vmem>>, vector<8x1xf32>
    %add3A_20 = vector.broadcast %get3A_19 : vector<8x1xf32> to vector<8x10000xf32>
    %add3A_21 = arith.addf %dot_general3A_16, %add3A_20 : vector<8x10000xf32>
    %swap3A = arith.constant 0 : index
    %swap3A_22 = arith.constant 0 : index
    %swap3A_23 = vector.load %arg5[%swap3A, %swap3A_22] : memref<8x10000xf32, #tpu.memory_space<vmem>>, vector<8x10000xf32>
    tpu.vector_store %arg5[%swap3A, %swap3A_22], %add3A_21 {strides = array<i32>} : memref<8x10000xf32, #tpu.memory_space<vmem>>, vector<8x10000xf32>,
    return
  }
}

module attributes {stable_mosaic.version = 14 : i64} {
  func.func @_deepset_kernel(%arg0: memref<10000x128xf32, #tpu.memory_space<vmem>>, %arg1: memref<8x10000xf32, #tpu.memory_space<vmem>>, %arg2: memref<1x10000xi32, #tpu.memory_space<vmem>>, %arg3: memref<8x32xf32, #tpu.memory_space<vmem>>, %arg4: memref<1x32xf32, #tpu.memory_space<vmem>>, %arg5: memref<32x32xf32, #tpu.memory_space<vmem>>, %arg6: memref<1x32xf32, #tpu.memory_space<vmem>>, %arg7: memref<32x32xf32, #tpu.memory_space<vmem>>, %arg8: memref<32x128xf32, #tpu.memory_space<vmem>>, %arg9: memref<1x128xf32, #tpu.memory_space<vmem>>, %arg10: memref<32x128xf32, #tpu.memory_space<vmem>>, %arg11: memref<1x128xf32, #tpu.memory_space<vmem>>, %arg12: memref<1x128xf32, #tpu.memory_space<vmem>>, %arg13: memref<10000x128xf32, #tpu.memory_space<vmem>>) attributes {dimension_semantics = [], scalar_prefetch = 0 : i64, scratch_operands = 0 : i64, tpu.core_type = #tpu.core_type<tc>} {
    %get3A = arith.constant 0 : index
    %get3A_0 = arith.constant 0 : index
    %get3A_1 = vector.load %arg1[%get3A, %get3A_0] : memref<8x10000xf32, #tpu.memory_space<vmem>>, vector<8x10000xf32>
    %get3A_2 = arith.constant 0 : index
    %get3A_3 = arith.constant 0 : index
    %get3A_4 = vector.load %arg3[%get3A_2, %get3A_3] : memref<8x32xf32, #tpu.memory_space<vmem>>, vector<8x32xf32>
    %dot_general3A = arith.constant dense<0.000000e+00> : vector<10000x32xf32>
    %dot_general3A_5 = tpu.matmul %get3A_1, %get3A_4, %dot_general3A {dimension_numbers = #tpu.dot_dimension_numbers<[0], [0], [1], [1], [0, 1, 1, 1], [], []>, transpose_lhs_hint = false} : vector<8x10000xf32>, vector<8x32xf32>, vector<10000x32xf32> -> vector<10000x32xf32>
    %get3A_6 = arith.constant 0 : index
    %get3A_7 = arith.constant 0 : index
    %get3A_8 = vector.load %arg4[%get3A_6, %get3A_7] : memref<1x32xf32, #tpu.memory_space<vmem>>, vector<1x32xf32>
    %add3A = vector.broadcast %get3A_8 : vector<1x32xf32> to vector<10000x32xf32>
    %add3A_9 = arith.addf %dot_general3A_5, %add3A : vector<10000x32xf32>
    %max3A = arith.constant 0.000000e+00 : f32
    %max3A_10 = vector.broadcast %max3A : f32 to vector<10000x32xf32>
    %max3A_11 = arith.maximumf %add3A_9, %max3A_10 : vector<10000x32xf32>
    %iota3A = tpu.iota {dimensions = array<i32: 0>} : vector<128x10000xi32>
    %get3A_12 = arith.constant 0 : index
    %get3A_13 = arith.constant 0 : index
    %get3A_14 = vector.load %arg2[%get3A_12, %get3A_13] : memref<1x10000xi32, #tpu.memory_space<vmem>>, vector<1x10000xi32>
    %eq3A = vector.broadcast %get3A_14 : vector<1x10000xi32> to vector<128x10000xi32>
    %eq3A_15 = arith.cmpi eq, %eq3A, %iota3A : vector<128x10000xi32>
    %convert_element_type3A = arith.extui %eq3A_15 : vector<128x10000xi1> to vector<128x10000xi32>
    %convert_element_type3A_16 = arith.sitofp %convert_element_type3A : vector<128x10000xi32> to vector<128x10000xf32>
    %broadcast_in_dim3A = arith.constant 1.000000e+00 : f32
    %broadcast_in_dim3A_17 = vector.broadcast %broadcast_in_dim3A : f32 to vector<10000x1xf32>
    %dot_general3A_18 = arith.constant dense<0.000000e+00> : vector<128x1xf32>
    %dot_general3A_19 = tpu.matmul %convert_element_type3A_16, %broadcast_in_dim3A_17, %dot_general3A_18 {dimension_numbers = #tpu.dot_dimension_numbers<[1], [0], [0], [1], [0, 0, 1, 1], [], []>, transpose_lhs_hint = false} : vector<128x10000xf32>, vector<10000x1xf32>, vector<128x1xf32> -> vector<128x1xf32>
    %max3A_20 = arith.constant 1.000000e+00 : f32
    %max3A_21 = vector.broadcast %max3A_20 : f32 to vector<128x1xf32>
    %max3A_22 = arith.maximumf %dot_general3A_19, %max3A_21 : vector<128x1xf32>
    %div3A = arith.constant 1.000000e+00 : f32
    %div3A_23 = vector.broadcast %div3A : f32 to vector<128x1xf32>
    %div3A_24 = arith.divf %div3A_23, %max3A_22 : vector<128x1xf32>
    %dot_general3A_25 = arith.constant dense<0.000000e+00> : vector<128x32xf32>
    %dot_general3A_26 = tpu.matmul %convert_element_type3A_16, %max3A_11, %dot_general3A_25 {dimension_numbers = #tpu.dot_dimension_numbers<[1], [0], [0], [1], [0, 0, 1, 1], [], []>, transpose_lhs_hint = false} : vector<128x10000xf32>, vector<10000x32xf32>, vector<128x32xf32> -> vector<128x32xf32>
    %mul3A = vector.broadcast %div3A_24 : vector<128x1xf32> to vector<128x32xf32>
    %mul3A_27 = arith.mulf %dot_general3A_26, %mul3A : vector<128x32xf32>
    %get3A_28 = arith.constant 0 : index
    %get3A_29 = arith.constant 0 : index
    %get3A_30 = vector.load %arg7[%get3A_28, %get3A_29] : memref<32x32xf32, #tpu.memory_space<vmem>>, vector<32x32xf32>
    %dot_general3A_31 = arith.constant dense<0.000000e+00> : vector<128x32xf32>
    %dot_general3A_32 = tpu.matmul %mul3A_27, %get3A_30, %dot_general3A_31 {dimension_numbers = #tpu.dot_dimension_numbers<[1], [0], [0], [1], [0, 0, 1, 1], [], []>, transpose_lhs_hint = false} : vector<128x32xf32>, vector<32x32xf32>, vector<128x32xf32> -> vector<128x32xf32>
    %get3A_33 = arith.constant 0 : index
    %get3A_34 = arith.constant 0 : index
    %get3A_35 = vector.load %arg5[%get3A_33, %get3A_34] : memref<32x32xf32, #tpu.memory_space<vmem>>, vector<32x32xf32>
    %dot_general3A_36 = arith.constant dense<0.000000e+00> : vector<10000x32xf32>
    %dot_general3A_37 = tpu.matmul %max3A_11, %get3A_35, %dot_general3A_36 {dimension_numbers = #tpu.dot_dimension_numbers<[1], [0], [0], [1], [0, 0, 1, 1], [], []>, transpose_lhs_hint = false} : vector<10000x32xf32>, vector<32x32xf32>, vector<10000x32xf32> -> vector<10000x32xf32>
    %get3A_38 = arith.constant 0 : index
    %get3A_39 = arith.constant 0 : index
    %get3A_40 = vector.load %arg6[%get3A_38, %get3A_39] : memref<1x32xf32, #tpu.memory_space<vmem>>, vector<1x32xf32>
    %add3A_41 = vector.broadcast %get3A_40 : vector<1x32xf32> to vector<10000x32xf32>
    %add3A_42 = arith.addf %dot_general3A_37, %add3A_41 : vector<10000x32xf32>
    %dot_general3A_43 = arith.constant dense<0.000000e+00> : vector<10000x32xf32>
    %dot_general3A_44 = tpu.matmul %convert_element_type3A_16, %dot_general3A_32, %dot_general3A_43 {dimension_numbers = #tpu.dot_dimension_numbers<[0], [0], [1], [1], [0, 1, 1, 1], [], []>, transpose_lhs_hint = false} : vector<128x10000xf32>, vector<128x32xf32>, vector<10000x32xf32> -> vector<10000x32xf32>
    %sub3A = arith.subf %add3A_42, %dot_general3A_44 : vector<10000x32xf32>
    %max3A_45 = arith.constant 0.000000e+00 : f32
    %max3A_46 = vector.broadcast %max3A_45 : f32 to vector<10000x32xf32>
    %max3A_47 = arith.maximumf %sub3A, %max3A_46 : vector<10000x32xf32>
    %dot_general3A_48 = arith.constant dense<0.000000e+00> : vector<128x32xf32>
    %dot_general3A_49 = tpu.matmul %convert_element_type3A_16, %max3A_47, %dot_general3A_48 {dimension_numbers = #tpu.dot_dimension_numbers<[1], [0], [0], [1], [0, 0, 1, 1], [], []>, transpose_lhs_hint = false} : vector<128x10000xf32>, vector<10000x32xf32>, vector<128x32xf32> -> vector<128x32xf32>
    %mul3A_50 = vector.broadcast %div3A_24 : vector<128x1xf32> to vector<128x32xf32>
    %mul3A_51 = arith.mulf %dot_general3A_49, %mul3A_50 : vector<128x32xf32>
    %get3A_52 = arith.constant 0 : index
    %get3A_53 = arith.constant 0 : index
    %get3A_54 = vector.load %arg10[%get3A_52, %get3A_53] : memref<32x128xf32, #tpu.memory_space<vmem>>, vector<32x128xf32>
    %dot_general3A_55 = arith.constant dense<0.000000e+00> : vector<128x128xf32>
    %dot_general3A_56 = tpu.matmul %mul3A_51, %get3A_54, %dot_general3A_55 {dimension_numbers = #tpu.dot_dimension_numbers<[1], [0], [0], [1], [0, 0, 1, 1], [], []>, transpose_lhs_hint = false} : vector<128x32xf32>, vector<32x128xf32>, vector<128x128xf32> -> vector<128x128xf32>
    %get3A_57 = arith.constant 0 : index
    %get3A_58 = arith.constant 0 : index
    %get3A_59 = vector.load %arg8[%get3A_57, %get3A_58] : memref<32x128xf32, #tpu.memory_space<vmem>>, vector<32x128xf32>
    %dot_general3A_60 = arith.constant dense<0.000000e+00> : vector<10000x128xf32>
    %dot_general3A_61 = tpu.matmul %max3A_47, %get3A_59, %dot_general3A_60 {dimension_numbers = #tpu.dot_dimension_numbers<[1], [0], [0], [1], [0, 0, 1, 1], [], []>, transpose_lhs_hint = false} : vector<10000x32xf32>, vector<32x128xf32>, vector<10000x128xf32> -> vector<10000x128xf32>
    %get3A_62 = arith.constant 0 : index
    %get3A_63 = arith.constant 0 : index
    %get3A_64 = vector.load %arg9[%get3A_62, %get3A_63] : memref<1x128xf32, #tpu.memory_space<vmem>>, vector<1x128xf32>
    %add3A_65 = vector.broadcast %get3A_64 : vector<1x128xf32> to vector<10000x128xf32>
    %add3A_66 = arith.addf %dot_general3A_61, %add3A_65 : vector<10000x128xf32>
    %dot_general3A_67 = arith.constant dense<0.000000e+00> : vector<10000x128xf32>
    %dot_general3A_68 = tpu.matmul %convert_element_type3A_16, %dot_general3A_56, %dot_general3A_67 {dimension_numbers = #tpu.dot_dimension_numbers<[0], [0], [1], [1], [0, 1, 1, 1], [], []>, transpose_lhs_hint = false} : vector<128x10000xf32>, vector<128x128xf32>, vector<10000x128xf32> -> vector<10000x128xf32>
    %sub3A_69 = arith.subf %add3A_66, %dot_general3A_68 : vector<10000x128xf32>
    %max3A_70 = arith.constant 0.000000e+00 : f32
    %max3A_71 = vector.broadcast %max3A_70 : f32 to vector<10000x128xf32>
    %max3A_72 = arith.maximumf %sub3A_69, %max3A_71 : vector<10000x128xf32>
    %reduce_sum3A = arith.constant dense<0.000000e+00> : vector<128xf32>
    %reduce_sum3A_73 = vector.multi_reduction <add>, %max3A_72, %reduce_sum3A [0] : vector<10000x128xf32> to vector<128xf32>
    %broadcast_in_dim3A_74 = vector.shape_cast %reduce_sum3A_73 : vector<128xf32> to vector<1x128xf32>
    %div3A_75 = arith.constant 1.000000e+04 : f32
    %div3A_76 = vector.broadcast %div3A_75 : f32 to vector<1x128xf32>
    %div3A_77 = arith.divf %broadcast_in_dim3A_74, %div3A_76 : vector<1x128xf32>
    %sub3A_78 = vector.broadcast %div3A_77 : vector<1x128xf32> to vector<10000x128xf32>
    %sub3A_79 = arith.subf %max3A_72, %sub3A_78 : vector<10000x128xf32>
    %sub3A_80 = vector.broadcast %div3A_77 : vector<1x128xf32> to vector<10000x128xf32>
    %sub3A_81 = arith.subf %max3A_72, %sub3A_80 : vector<10000x128xf32>
    %mul3A_82 = arith.mulf %sub3A_79, %sub3A_81 : vector<10000x128xf32>
    %reduce_sum3A_83 = arith.constant dense<0.000000e+00> : vector<128xf32>
    %reduce_sum3A_84 = vector.multi_reduction <add>, %mul3A_82, %reduce_sum3A_83 [0] : vector<10000x128xf32> to vector<128xf32>
    %broadcast_in_dim3A_85 = vector.shape_cast %reduce_sum3A_84 : vector<128xf32> to vector<1x128xf32>
    %div3A_86 = arith.constant 1.000000e+04 : f32
    %div3A_87 = vector.broadcast %div3A_86 : f32 to vector<1x128xf32>
    %div3A_88 = arith.divf %broadcast_in_dim3A_85, %div3A_87 : vector<1x128xf32>
    %sub3A_89 = vector.broadcast %div3A_77 : vector<1x128xf32> to vector<10000x128xf32>
    %sub3A_90 = arith.subf %max3A_72, %sub3A_89 : vector<10000x128xf32>
    %add3A_91 = arith.constant 9.99999974E-6 : f32
    %add3A_92 = vector.broadcast %add3A_91 : f32 to vector<1x128xf32>
    %add3A_93 = arith.addf %div3A_88, %add3A_92 : vector<1x128xf32>
    %rsqrt3A = math.rsqrt %add3A_93 : vector<1x128xf32>
    %mul3A_94 = vector.broadcast %rsqrt3A : vector<1x128xf32> to vector<10000x128xf32>
    %mul3A_95 = arith.mulf %sub3A_90, %mul3A_94 : vector<10000x128xf32>
    %get3A_96 = arith.constant 0 : index
    %get3A_97 = arith.constant 0 : index
    %get3A_98 = vector.load %arg0[%get3A_96, %get3A_97] : memref<10000x128xf32, #tpu.memory_space<vmem>>, vector<10000x128xf32>
    %get3A_99 = arith.constant 0 : index
    %get3A_100 = arith.constant 0 : index
    %get3A_101 = vector.load %arg11[%get3A_99, %get3A_100] : memref<1x128xf32, #tpu.memory_space<vmem>>, vector<1x128xf32>
    %mul3A_102 = vector.broadcast %get3A_101 : vector<1x128xf32> to vector<10000x128xf32>
    %mul3A_103 = arith.mulf %mul3A_95, %mul3A_102 : vector<10000x128xf32>
    %add3A_104 = arith.addf %get3A_98, %mul3A_103 : vector<10000x128xf32>
    %get3A_105 = arith.constant 0 : index
    %get3A_106 = arith.constant 0 : index
    %get3A_107 = vector.load %arg12[%get3A_105, %get3A_106] : memref<1x128xf32, #tpu.memory_space<vmem>>, vector<1x128xf32>
    %add3A_108 = vector.broadcast %get3A_107 : vector<1x128xf32> to vector<10000x128xf32>
    %add3A_109 = arith.addf %add3A_104, %add3A_108 : vector<10000x128xf32>
    %swap3A = arith.constant 0 : index
    %swap3A_110 = arith.constant 0 : index
    %swap3A_111 = vector.load %arg13[%swap3A, %swap3A_110] : memref<10000x128xf32, #tpu.memory_space<vmem>>, vector<10000x128xf32>
    tpu.vector_store %arg13[%swap3A, %swap3A_110], %add3A_109 {strides = array<i32>} : memref<10000x128xf32, #tpu.memory_space<vmem>>, vector<10000x128xf32>,
    return
  }
}

</mosaic_0001>

<sc_bundles>
// kernel: kernel.5.cloned.1.call-start
scs
__scs_entry_jumppad:
0x0: {  	(pc) =	sbr.rel $0x88, $3  }
0x1: {  	(tag) =	ssettag $0x0;
	lr =	simm.s32 $0x1  }
0x2: {  	[smem:$0x3F90] =	sst lr;
	_ =	strace $0xD0000000  }
0x3: {  	_ = 	snop  }
0x4: {  	_ = 	snop  }
0x5: {  	_ = 	snop  }
0x6: {  	_ = 	snop  }
0x7: {  	_ = 	snop  }
__scs_overlays_trampoline_lowered:
0x8: {  	[smem:$0x3F9F] =	sst s0  }
0x9: {  	[smem:$0x3FA0] =	sst s1  }
0xa: {  	[smem:$0x3FA1] =	sst s2  }
0xb: {  	[smem:$0x3FA2] =	sst s3  }
0xc: {  	[smem:$0x3FA3] =	sst s4  }
0xd: {  	[smem:$0x3FA4] =	sst s5  }
0xe: {  	[smem:$0x3FA5] =	sst s6  }
0xf: {  	[smem:$0x3FA6] =	sst s7  }
0x10: {  	[smem:$0x3FA7] =	sst s8  }
0x11: {  	[smem:$0x3FA8] =	sst s9;
	s0 =	simm.s32 @!p0 $0x0  }
0x12: {  	s1 =	sld [smem:$0x3F8E];
	s0 =	simm.s32 @p0 $0x1  }
0x13: {  	[smem:$0x3FA9] =	sst s0;
	s0 =	simm.s32 @!p1 $0x0  }
0x14: {  	s2 =	sld [smem:$0x3F8D];
	s0 =	simm.s32 @p1 $0x1  }
0x15: {  	[smem:$0x3FAA] =	sst s0;
	s0 =	simm.s32 @!p2 $0x0  }
0x16: {  	s3 =	sld [smem:$0x3FDB];
	s0 =	simm.s32 @p2 $0x1  }
0x17: {  	s4 =	simm.s32 $0x1BF5;
	[smem:$0x3FAC] =	sst s0  }
0x18: {  	s0 =	sld [smem:$0x3F8F];
	_ =	swait.ge [sflag:s4], $0x0  }
0x19: {  	s7 =	sld [smem:$0x3F90]  }
0x1a: {  	s8 =	sadd.s32 $0xFFFFE003, lr  }
0x1b: {  	s9 =	sadd.s32 $0xFFFFFEF7, lr;
	s5 =	simm.s32 $0xFFFFFFFF;
	p2 =	slt.u32 s8, $0xFFFFF086  }
0x1c: {  	p1 =	slt.u32 s9, $0xF7A;
	s5 =	simm.s32 @!p2 $0x0  }
0x1d: {  	s5 =	simm.s32 @p1 $0x1;
	p0 =	seq.s32 s7, s2  }
0x1e: {  	s7 =	smul.u32 @!p0 $0xF7A, s2;
	p2 =	seq.s32 @!p0 s5, $0x0  }
0x1f: {  	s9 =	smul.u32 $0xF7A, s1;
	s8 =	simm.s32 @!p0 $0x1BF5;
	p2 =	por !p2, p0  }
0x20: {  	[sflag:s8] =	ssyncset.s32 @!p0 $0xFFFFF086;
	s6 =	sadd.s32 @!p0 s3, s7;
	s7 =	simm.s32 @!p0 $0x108  }
0x21: {  	s3 =	sadd.s32 s3, s9;
	s6 =	sadd.s32 @!p0 $0x88, s6;
	s7 =	simm.s32 @p2 $0x1082  }
0x22: {  	[simem:s7], [sflag:s8] =	dma.local @!p0 [hbm:s6], $0xF7A  }
0x23: {  	s9 =	sor.u32 $0xD0000000, s2;
	s6 =	simm.s32 $0x108;
	_ =	swait.ge @!p0 [sflag:s8], $0x0  }
0x24: {  	s3 =	sadd.s32 $0x88, s3;
	s6 =	simm.s32 @!p1 $0x1082;
	[sflag:s4] =	ssyncset.s32 $0xFFFFF086  }
0x25: {  	[simem:s6], [sflag:s4] =	dma.local [hbm:s3], $0xF7A  }
0x26: {  	[smem:$0x3F90] =	sst s1;
	(tag) =	ssettag s2;
	_ =	strace s9  }
0x27: {  	s1 =	sld [smem:$0x3FA0]  }
0x28: {  	s2 =	sld [smem:$0x3FA1]  }
0x29: {  	s4 =	sld [smem:$0x3FA3]  }
0x2a: {  	p0 =	seq.s32 s5, $0x0;
	s5 =	sld [smem:$0x3FA4]  }
0x2b: {  	s6 =	sld [smem:$0x3FA5]  }
0x2c: {  	s7 =	sld [smem:$0x3FA6]  }
0x2d: {  	s3 =	simm.s32 $0x108;
	s8 =	sld [smem:$0x3FA7]  }
0x2e: {  	s3 =	simm.s32 @!p0 $0x1082;
	s9 =	sld [smem:$0x3FA8]  }
0x2f: {  	lr =	sadd.s32 s0, s3;
	s0 =	sld [smem:$0x3F9F]  }
0x30: {  	s3 =	sld [smem:$0x3FA2]  }
0x31: {  	[smem:$0x3FAB] =	sst s10  }
0x32: {  	s10 =	sld [smem:$0x3FA9];
	_ =	sdelay $0x3  }
0x33: {  	p0 =	seq.s32 s10, $0x1;
	s10 =	sld [smem:$0x3FAB];
	_ =	sdelay $0x3  }
0x34: {  	[smem:$0x3FAB] =	sst s10  }
0x35: {  	s10 =	sld [smem:$0x3FAA];
	_ =	sdelay $0x3  }
0x36: {  	p1 =	seq.s32 s10, $0x1;
	s10 =	sld [smem:$0x3FAB];
	_ =	sdelay $0x3  }
0x37: {  	[smem:$0x3FAB] =	sst s10  }
0x38: {  	s10 =	sld [smem:$0x3FAC]  }
0x39: {  	_ = 	snop;
	(pc) =	sbr.ind lr, $3  }
0x3a: {  	_ = 	snop  }
0x3b: {  	_ = 	snop  }
0x3c: {  	p2 =	seq.s32 s10, $0x1;
	s10 =	sld [smem:$0x3FAB]  }
0x3d: {  	_ =	shalt  }
0x3e: {  	_ =	shalt  }
0x3f: {  	_ =	shalt  }
0x40: {  	_ =	shalt  }
0x41: {  	_ =	shalt  }
0x42: {  	_ =	shalt  }
0x43: {  	_ =	shalt  }
0x44: {  	_ =	shalt  }
0x45: {  	_ =	shalt  }
0x46: {  	_ =	shalt  }
0x47: {  	_ =	shalt  }
0x48: {  	_ =	shalt  }
0x49: {  	_ =	shalt  }
0x4a: {  	_ =	shalt  }
0x4b: {  	_ =	shalt  }
0x4c: {  	_ =	shalt  }
0x4d: {  	_ =	shalt  }
0x4e: {  	_ =	shalt  }
0x4f: {  	_ =	shalt  }
0x50: {  	_ =	shalt  }
0x51: {  	_ =	shalt  }
0x52: {  	_ =	shalt  }
0x53: {  	_ =	shalt  }
0x54: {  	_ =	shalt  }
0x55: {  	_ =	shalt  }
0x56: {  	_ =	shalt  }
0x57: {  	_ =	shalt  }
0x58: {  	_ =	shalt  }
0x59: {  	_ =	shalt  }
0x5a: {  	_ =	shalt  }
0x5b: {  	_ =	shalt  }
0x5c: {  	_ =	shalt  }
0x5d: {  	_ =	shalt  }
0x5e: {  	_ =	shalt  }
0x5f: {  	_ =	shalt  }
0x60: {  	_ =	shalt  }
0x61: {  	_ =	shalt  }
0x62: {  	_ =	shalt  }
0x63: {  	_ =	shalt  }
0x64: {  	_ =	shalt  }
0x65: {  	_ =	shalt  }
0x66: {  	_ =	shalt  }
0x67: {  	_ =	shalt  }
0x68: {  	_ =	shalt  }
0x69: {  	_ =	shalt  }
0x6a: {  	_ =	shalt  }
0x6b: {  	_ =	shalt  }
0x6c: {  	_ =	shalt  }
0x6d: {  	_ =	shalt  }
0x6e: {  	_ =	shalt  }
0x6f: {  	_ =	shalt  }
0x70: {  	_ =	shalt  }
0x71: {  	_ =	shalt  }
0x72: {  	_ =	shalt  }
0x73: {  	_ =	shalt  }
0x74: {  	_ =	shalt  }
0x75: {  	_ =	shalt  }
0x76: {  	_ =	shalt  }
0x77: {  	_ =	shalt  }
0x78: {  	_ =	shalt  }
0x79: {  	_ =	shalt  }
0x7a: {  	_ =	shalt  }
0x7b: {  	_ =	shalt  }
0x7c: {  	_ =	shalt  }
0x7d: {  	_ =	shalt  }
0x7e: {  	_ =	shalt  }
0x7f: {  	_ =	shalt  }
0x80: {  	_ =	shalt  }
0x81: {  	_ =	shalt  }
0x82: {  	_ =	shalt  }
0x83: {  	_ =	shalt  }
0x84: {  	_ =	shalt  }
0x85: {  	_ =	shalt  }
0x86: {  	_ =	shalt  }
0x87: {  	_ =	shalt  }
.Lfunc_end0:
.L_simem_size_0:
called_computation_lowered:
.L_overlay_start_0:
0x88: {  	s2 =	sld [smem:$0x3FD9]  }
0x89: {  	s3 =	sld [smem:$0x3FFE];
	_ =	sdelay $0x1  }
0x8a: {  	s1 =	srdreg.scid  }
0x8b: {  	s0 =	sand.u32 $0x1, s1  }
0x8c: {  	s16 =	sshll.u32 s0, $0xA;
	s2 =	sadd.s32 s3, s2  }
0x8d: {  	s2 =	sadd.s32 s2, s16  }
0x8e: {  	[smem:$0x3FB7] =	sst s2  }
0x8f: {  	_ = 	snop  }
0x90: {  	(tm) =	ssettm $0x1  }
0x91: {  	s17 =	sld [smem:$0x3FFB];
	_ =	sdelay $0x3  }
0x92: {  	_ =	strace s17  }
0x93: {  	s2 =	sld [smem:$0x3FFC];
	_ =	sdelay $0x3  }
0x94: {  	_ =	strace s2  }
0x95: {  	s2 =	sld [smem:$0x3FFD];
	_ =	sdelay $0x3  }
0x96: {  	_ =	strace s2  }
0x97: {  	_ =	strace $0x8FFFFFFF  }
0x98: {  	s18 =	sld [smem:$0x3FDB];
	_ =	sdelay $0x1  }
0x99: {  	s19 =	simm.s32 $_scs_section_size  }
0x9a: {  	s4 =	simm.s32 $_size__tile_overlayer_lowered;
	s5 =	simm.s32 $_tile_overlayer_lowered  }
0x9b: {  	s22 =	simm.s32 $0x1BFF;
	s21 =	sshll.u32 s5, $0x1;
	s2 =	sadd.s32 s19, s18  }
0x9c: {  	s6 =	simm.s32 $0x0;
	s20 =	sshll.u32 s4, $0x1;
	s4 =	sadd.s32 s21, s2  }
0x9d: {  	[timem:s6], [sflag:s22] =	dma.local [hbm:s4], s20  }
0x9e: {  	_ =	swait.ge [sflag:s22], s20  }
0x9f: {  	s3 =	ssub.s32 $0x0, s20;
	[sflag:s22] =	ssyncset.done $0x0  }
0xa0: {  	[sflag:s22] =	ssyncadd.s32 s3;
	_ =	sdelay $0x1  }
0xa1: {  	s23 =	simm.s32 $0x1B8B  }
0xa2: {  	_ =	swait.ge [sflag:s23], $0x1  }
0xa3: {  	[sflag:s23] =	ssyncset.done $0x0  }
0xa4: {  	s25 =	simm.s32 $0x1B8E;
	s24 =	sld [smem:$0x3FFE];
	[sflag:s23] =	ssyncadd.s32 $0xFFFFFFFF  }
0xa5: {  	s26 =	simm.s32 $execute0_lowered;
	[smem:$0x3FD2] =	sst s25  }
0xa6: {  	s4 =	sshll.u32 s26, $0x1;
	_ =	strace $0x80000046;
	[dreg:$0x1] =	wrdreg $0xFFFFFFFF  }
0xa7: {  	s28 =	simm.s32 $_size_execute0_lowered;
	s2 =	sadd.s32 s2, s4;
	[dreg:$0x0] =	wrdreg $0x0  }
0xa8: {  	s4 =	sshll.u32 s28, $0x1;
	[dreg:$0x2] =	wrdreg s2  }
0xa9: {  	[dreg:$0x3] =	wrdreg s4  }
0xaa: {  	[dreg:$0x4] =	wrdreg $0xC0  }
0xab: {  	_ =	task [dreg:s6], $0x5FFFF  }
0xac: {  	[dreg:$0x1] =	wrdreg $0xFFFFFFFF  }
0xad: {  	[dreg:$0x0] =	wrdreg $0x60  }
0xae: {  	[dreg:$0x2] =	wrdreg s24  }
0xaf: {  	[dreg:$0x3] =	wrdreg $0x9  }
0xb0: {  	_ =	task.clear_ibuf [dreg:s6], $0x4FFFF;
	_ =	strace $0x90000046  }
0xb1: {  	s29 =	simm.s32 $0x9;
	_ =	strace $0x80000048  }
0xb2: {  	_ =	swait.ge [sflag:s29], $0x1  }
0xb3: {  	[sflag:s29] =	ssyncadd.s32 $0xFFFFFFFF  }
0xb4: {  	_ =	strace $0x90000048  }
0xb5: {  	_ =	sfence  }
0xb6: {  	s30 =	sld [smem:$0x0];
	_ =	sdelay $0x2  }
0xb7: {  	s31 =	sshll.u32 s1, $0xD;
	s1 =	sshrl.u32 s1, $0x2  }
0xb8: {  	s3 =	sand.u32 $0x4000, s31;
	s1 =	sadd.s32 s1, s30  }
0xb9: {  	s0 =	sor.u32 s3, s0;
	s1 =	sshll.u32 s1, $0x11  }
0xba: {  	s0 =	sor.u32 s1, s0  }
0xbb: {  	s0 =	sadd.s32 $0x8F2B, s0  }
0xbc: {  	[sflag:s0] =	ssyncadd.remote.s32 $0x1  }
0xbd: {  	_ =	sfence.sel $0xFFFF  }
0xbe: {  	[dreg:$0x0] =	wrdreg $0xFFFFFFFF;
	(pc) =	sbr.abs _section_cstart, $3  }
0xbf: {  	[dreg:$0x1] =	wrdreg $0xFFFFFFFF  }
0xc0: {  	_ =	task.clear_ibuf [dreg:s6], $0x2FFFF;
	_ =	strace $0x9FFFFFFF  }
0xc1: {  	(tm) =	ssettm $0x7FFFFFFF  }
tec
execute0_lowered:
.L_overlay_start_1:
0x0: {  	(tag) =	ssettag $0x1  }
0x1: {  	s1 =	srdreg.scid  }
0x2: {  	s0 =	stileid.u32;
	s4 =	rddreg [dreg:$0x0];
	s2 =	simm.s32 $0x0  }
0x3: {  	s9 =	simm.s32 $0x13880;
	s5 =	sand.u32 $0x1, s1;
	s3 =	sshll.u32 s0, $0x1  }
0x4: {  	s10 =	simm.s32 $0x15F90;
	s11 =	simm.s32 $0x186A0;
	s6 =	sor.u32 s5, s3  }
0x5: {  	s12 =	simm.s32 $0x0;
	[smem:$0x7FF] =	sst s2;
	s7 =	smul.u32 $0x2710, s6  }
0x6: {  	s1 =	rddreg [dreg:$0x1];
	_ =	strace $0x80000047;
	s3 =	sadd.s32 $0x1C00, s4  }
0x7: {  	s5 =	ssub.s32 $0x2, s5;
	s6 =	sshll.u32 s6, $0x1;
	s7 =	sshrl.u32 s7, $0x3  }
0x8: {  	s8 =	sshrl.u32 s5, $0x1;
	s6 =	sadd.s32 s6, s4;
	s7 =	sadd.s32 s7, s4  }
0x9: {  	s8 =	ssub.s32 s5, s8;
	s6 =	sadd.s32 $0x17E00, s6;
	s4 =	sadd.s32 $0x4400, s7  }
0xa: {  	s5 =	sadd.s32 $0xE040, s7;
	s7 =	smax.u32 s8, $0x1;
	s8 =	simm.s32 $0x1  }
.LBB2_1:
0xb: {  	[tilespmem:s2], [sflag:$0x1] =	stream.linear.gather [hbm4b:s3+s2], $0x13880, $0x38;
	[tilespmem:$0x186B0] =	vst v63  }
0xc: {  	_ =	swait.ge [sflag:s8], $0x13880  }
0xd: {  	[sflag:s8] =	ssyncset.done $0x0  }
0xe: {  	[sflag:s8] =	ssyncadd.s32 $0xFFFEC780  }
0xf: {  	[tilespmem:s9], [sflag:$0x1] =	stream.linear.gather [hbm4b:s4+s2], $0x2710, $0x38;
	[tilespmem:$0x186B0] =	vst v63  }
0x10: {  	_ =	swait.ge [sflag:s8], $0x2710  }
0x11: {  	[sflag:s8] =	ssyncset.done $0x0  }
0x12: {  	[sflag:s8] =	ssyncadd.s32 $0xFFFFD8F0  }
0x13: {  	[tilespmem:s10], [sflag:$0x1] =	stream.linear.gather [hbm4b:s5+s2], $0x2710, $0x38;
	[tilespmem:$0x186B0] =	vst v63  }
0x14: {  	_ =	swait.ge [sflag:s8], $0x2710  }
0x15: {  	[sflag:s8] =	ssyncset.done $0x0  }
0x16: {  	s13 =	simm.s32 $0x13890;
	[sflag:s8] =	ssyncadd.s32 $0xFFFFD8F0  }
0x17: {  	s14 =	simm.s32 $0x15FA0;
	v1 =	vld [tilespmem:s13+$0xFFFFFFF0]  }
0x18: {  	v3 =	vld [tilespmem:s14+$0xFFFFFFF0]  }
0x19: {  	v2 =	vld [tilespmem:s14+$0x0]  }
0x1a: {  	v5 =	vld [tilespmem:s13+$0x0];
	_ =	sdelay $0x3  }
0x1b: {  	v0 =	vadd.s32 $0xEA60, v2  }
0x1c: {  	v6 =	vadd.s32 $0x11170, v3;
	v4 =	vld.idx.msk [tilespmem:v1+s2+$0x0], $0xffff  }
0x1d: {  	v7 =	vadd.s32 $0x4E20, v1;
	v8 =	vld.idx.msk [tilespmem:v3+s2+$0x0], $0xffff  }
0x1e: {  	v13 =	vimm.f32 $0.0e+00;
	v18 =	vadd.s32 $0x2710, v1;
	v9 =	vadd.s32 $0x9C40, v1;
	v10 =	vld.idx.msk [tilespmem:v2+s2+$0x0], $0xffff  }
0x1f: {  	v20 =	vadd.s32 $0x2710, v3;
	v16 =	vadd.s32 $0x4E20, v3;
	v14 =	vadd.s32 $0x9C40, v3;
	v22 =	vld.idx.msk [tilespmem:v5+s2+$0x0], $0xffff  }
0x20: {  	v17 =	vadd.s32 $0x7530, v3;
	v19 =	vadd.s32 $0xEA60, v3;
	v27 =	vadd.s32 $0x4E20, v5;
	v0 =	vld.idx.msk [tilespmem:v0+s2+$0x0], $0xffff  }
0x21: {  	v24 =	vadd.s32 $0x2710, v5;
	v26 =	vadd.s32 $0x11170, v5;
	v32 =	vadd.s32 $0xEA60, v1;
	v21 =	vld.idx.msk [tilespmem:v6+s2+$0x0], $0xffff  }
0x22: {  	v25 =	vadd.s32 $0xC350, v1;
	v30 =	vadd.s32 $0xC350, v5;
	v6 =	vadd.s32 $0xC350, v2;
	v11 =	vld.idx.msk [tilespmem:v7+s2+$0x0], $0xffff  }
0x23: {  	v28 =	vadd.s32 $0x7530, v1;
	v31 =	vadd.s32 $0x11170, v1;
	v23 =	vadd.s32 $0x2710, v2;
	v12 =	vld.idx.msk [tilespmem:v9+s2+$0x0], $0xffff  }
0x24: {  	v29 =	vadd.s32 $0xC350, v3;
	v3 =	vimm.f32 $0.0e+00;
	v15 =	vld.idx.msk [tilespmem:v14+s2+$0x0], $0xffff;
	v4 =	vmax.f32 v4, v8  }
0x25: {  	v14 =	vadd.s32 $0xEA60, v5;
	v7 =	vimm.f32 $0.0e+00;
	v8 =	vld.idx.msk [tilespmem:v27+s2+$0x0], $0xffff;
	v4 =	vadd.f32 v4, v13  }
0x26: {  	v9 =	vimm.f32 $0.0e+00;
	v1 =	vmax.f32 v22, v10;
	v10 =	vimm.f32 $0.0e+00;
	v22 =	vld.idx.msk [tilespmem:v32+s2+$0x0], $0xffff  }
0x27: {  	s15 =	simm.s32 $0x0;
	v27 =	vld.idx.msk [tilespmem:v6+s2+$0x0], $0xffff;
	v6 =	vimm.f32 $0.0e+00;
	v1 =	vadd.f32 v1, v4;
	v4 =	vimm.f32 $0.0e+00  }
.LBB2_2:
0x28: {  	s15 =	sadd.s32 $0x2, s15;
	v30 =	vld.idx.msk [tilespmem:v30+s2+$0x0], $0xffff;
	s13 =	sadd.s32 $0x20, s13;
	s14 =	sadd.s32 $0x20, s14  }
0x29: {  	p0 =	slt.u32 s15, $0x26E;
	v31 =	vld.idx.msk [tilespmem:v31+s2+$0x0], $0xffff  }
0x2a: {  	v32 =	vld.idx.msk [tilespmem:v26+s2+$0x0], $0xffff  }
0x2b: {  	v26 =	vld.idx.msk [tilespmem:v28+s2+$0x0], $0xffff  }
0x2c: {  	v24 =	vld.idx.msk [tilespmem:v24+s2+$0x0], $0xffff  }
0x2d: {  	v25 =	vld.idx.msk [tilespmem:v25+s2+$0x0], $0xffff  }
0x2e: {  	v27 =	vmax.f32 v30, v27;
	v18 =	vld.idx.msk [tilespmem:v18+s2+$0x0], $0xffff  }
0x2f: {  	v28 =	vadd.s32 $0x7530, v5;
	v20 =	vld.idx.msk [tilespmem:v20+s2+$0x0], $0xffff  }
0x30: {  	v30 =	vadd.s32 $0x4E20, v2;
	v29 =	vld.idx.msk [tilespmem:v29+s2+$0x0], $0xffff  }
0x31: {  	v33 =	vadd.s32 $0x7530, v2;
	v16 =	vld.idx.msk [tilespmem:v16+s2+$0x0], $0xffff  }
0x32: {  	v17 =	vld.idx.msk [tilespmem:v17+s2+$0x0], $0xffff  }
0x33: {  	v21 =	vmax.f32 v31, v21;
	v19 =	vld.idx.msk [tilespmem:v19+s2+$0x0], $0xffff  }
0x34: {  	v13 =	vadd.f32 v21, v13;
	v21 =	vld.idx.msk [tilespmem:v28+s2+$0x0], $0xffff  }
0x35: {  	v18 =	vmax.f32 v18, v20;
	v20 =	vld.idx.msk [tilespmem:v30+s2+$0x0], $0xffff  }
0x36: {  	v25 =	vmax.f32 v25, v29;
	v28 =	vld.idx.msk [tilespmem:v33+s2+$0x0], $0xffff  }
0x37: {  	v6 =	vadd.f32 v25, v6;
	v25 =	vadd.s32 $0x9C40, v5;
	v23 =	vld.idx.msk [tilespmem:v23+s2+$0x0], $0xffff  }
0x38: {  	v5 =	vmax.f32 v11, v16;
	v11 =	vmax.f32 v26, v17;
	v17 =	vadd.s32 $0x11170, v2;
	v29 =	vld [tilespmem:s13+$0xFFFFFFF0]  }
0x39: {  	v12 =	vmax.f32 v12, v15;
	v15 =	vmax.f32 v22, v19;
	v6 =	vadd.f32 v27, v6;
	v33 =	vld [tilespmem:s14+$0xFFFFFFF0]  }
0x3a: {  	v4 =	vadd.f32 v5, v4;
	v10 =	vadd.f32 v15, v10;
	v15 =	vadd.s32 $0x9C40, v2;
	v2 =	vld [tilespmem:s14+$0x0]  }
0x3b: {  	v9 =	vadd.f32 v12, v9;
	v7 =	vadd.f32 v18, v7;
	v8 =	vmax.f32 v8, v20;
	v5 =	vld [tilespmem:s13+$0x0]  }
0x3c: {  	v3 =	vadd.f32 v11, v3;
	v4 =	vadd.f32 v8, v4;
	v8 =	vmax.f32 v21, v28;
	v12 =	vld.idx.msk [tilespmem:v25+s2+$0x0], $0xffff  }
0x3d: {  	v21 =	vmax.f32 v24, v23;
	v18 =	vadd.s32 $0x2710, v29;
	v11 =	vadd.s32 $0x4E20, v29;
	v14 =	vld.idx.msk [tilespmem:v14+s2+$0x0], $0xffff  }
0x3e: {  	v3 =	vadd.f32 v8, v3;
	v20 =	vadd.s32 $0x2710, v33;
	v16 =	vadd.s32 $0x4E20, v33;
	v8 =	vld.idx.msk [tilespmem:v17+s2+$0x0], $0xffff  }
0x3f: {  	v17 =	vadd.s32 $0x7530, v33;
	v22 =	vadd.s32 $0x9C40, v33;
	v27 =	vadd.s32 $0xEA60, v2;
	v15 =	vld.idx.msk [tilespmem:v15+s2+$0x0], $0xffff  }
0x40: {  	v7 =	vadd.f32 v21, v7;
	v19 =	vadd.s32 $0xEA60, v33;
	v35 =	vadd.s32 $0x11170, v33;
	v34 =	vld.idx.msk [tilespmem:v29+s2+$0x0], $0xffff  }
0x41: {  	v37 =	vadd.s32 $0x9C40, v29;
	v24 =	vadd.s32 $0x2710, v5;
	v26 =	vadd.s32 $0x11170, v5;
	v36 =	vld.idx.msk [tilespmem:v33+s2+$0x0], $0xffff  }
0x42: {  	v25 =	vadd.s32 $0xC350, v29;
	v39 =	vadd.s32 $0x4E20, v5;
	v30 =	vadd.s32 $0xC350, v5;
	v38 =	vld.idx.msk [tilespmem:v2+s2+$0x0], $0xffff  }
0x43: {  	v28 =	vadd.s32 $0x7530, v29;
	v31 =	vadd.s32 $0x11170, v29;
	v41 =	vmax.f32 v14, v0;
	v40 =	vld.idx.msk [tilespmem:v5+s2+$0x0], $0xffff  }
0x44: {  	v42 =	vadd.s32 $0xEA60, v29;
	v23 =	vadd.s32 $0x2710, v2;
	v8 =	vmax.f32 v32, v8;
	v0 =	vld.idx.msk [tilespmem:v27+s2+$0x0], $0xffff  }
0x45: {  	v14 =	vadd.s32 $0xEA60, v5;
	v27 =	vadd.s32 $0xC350, v2;
	v13 =	vadd.f32 v8, v13;
	v21 =	vld.idx.msk [tilespmem:v35+s2+$0x0], $0xffff  }
0x46: {  	v29 =	vadd.s32 $0xC350, v33;
	v10 =	vadd.f32 v41, v10;
	v8 =	vmax.f32 v12, v15;
	v11 =	vld.idx.msk [tilespmem:v11+s2+$0x0], $0xffff  }
.Ltmp0:
0x47: {  	v9 =	vadd.f32 v8, v9;
	v15 =	vmax.f32 v34, v36;
	v12 =	vld.idx.msk [tilespmem:v37+s2+$0x0], $0xffff;
	(pc) =	sbr.rel @p0 .LBB2_2-.Ltmp0, $4  }
0x48: {  	v1 =	vadd.f32 v15, v1;
	v15 =	vld.idx.msk [tilespmem:v22+s2+$0x0], $0xffff  }
0x49: {  	v22 =	vmax.f32 v40, v38;
	v8 =	vld.idx.msk [tilespmem:v39+s2+$0x0], $0xffff  }
0x4a: {  	v1 =	vadd.f32 v22, v1;
	v27 =	vld.idx.msk [tilespmem:v27+s2+$0x0], $0xffff  }
0x4b: {  	v22 =	vld.idx.msk [tilespmem:v42+s2+$0x0], $0xffff  }
0x4c: {  	_ =	sdelay $0x3  }
0x4d: {  	v30 =	vld.idx.msk [tilespmem:v30+s2+$0x0], $0xffff  }
0x4e: {  	v31 =	vld.idx.msk [tilespmem:v31+s2+$0x0], $0xffff  }
0x4f: {  	v26 =	vld.idx.msk [tilespmem:v26+s2+$0x0], $0xffff  }
0x50: {  	v28 =	vld.idx.msk [tilespmem:v28+s2+$0x0], $0xffff  }
0x51: {  	v24 =	vld.idx.msk [tilespmem:v24+s2+$0x0], $0xffff  }
0x52: {  	v25 =	vld.idx.msk [tilespmem:v25+s2+$0x0], $0xffff  }
0x53: {  	v18 =	vld.idx.msk [tilespmem:v18+s2+$0x0], $0xffff  }
0x54: {  	v20 =	vld.idx.msk [tilespmem:v20+s2+$0x0], $0xffff  }
0x55: {  	v29 =	vld.idx.msk [tilespmem:v29+s2+$0x0], $0xffff  }
0x56: {  	v16 =	vld.idx.msk [tilespmem:v16+s2+$0x0], $0xffff  }
0x57: {  	v17 =	vld.idx.msk [tilespmem:v17+s2+$0x0], $0xffff  }
0x58: {  	v32 =	vadd.s32 $0x7530, v5;
	v19 =	vld.idx.msk [tilespmem:v19+s2+$0x0], $0xffff  }
0x59: {  	v33 =	vadd.s32 $0x4E20, v2;
	v35 =	vld [tilespmem:$0x15F80]  }
0x5a: {  	v34 =	vadd.s32 $0x7530, v2;
	v37 =	vld [tilespmem:$0x18690]  }
0x5b: {  	v54 =	vadd.s32 $0x9C40, v5;
	v23 =	vld.idx.msk [tilespmem:v23+s2+$0x0], $0xffff  }
0x5c: {  	v36 =	vadd.s32 $0x11170, v2;
	v14 =	vld.idx.msk [tilespmem:v14+s2+$0x0], $0xffff  }
0x5d: {  	v55 =	vadd.s32 $0x9C40, v2;
	v32 =	vld.idx.msk [tilespmem:v32+s2+$0x0], $0xffff  }
0x5e: {  	v33 =	vld.idx.msk [tilespmem:v33+s2+$0x0], $0xffff  }
0x5f: {  	v34 =	vld.idx.msk [tilespmem:v34+s2+$0x0], $0xffff  }
0x60: {  	v5 =	vld.idx.msk [tilespmem:v54+s2+$0x0], $0xffff;
	v38 =	vadd.s32 $0x2710, v35  }
0x61: {  	v36 =	vld.idx.msk [tilespmem:v36+s2+$0x0], $0xffff;
	v39 =	vadd.s32 $0x2710, v37  }
0x62: {  	v2 =	vld.idx.msk [tilespmem:v55+s2+$0x0], $0xffff;
	v40 =	vadd.s32 $0x4E20, v35  }
0x63: {  	v42 =	vadd.s32 $0x4E20, v37;
	v41 =	vld.idx.msk [tilespmem:v35+s2+$0x0], $0xffff  }
0x64: {  	v12 =	vmax.f32 v12, v15;
	v44 =	vadd.s32 $0x7530, v35;
	v43 =	vld.idx.msk [tilespmem:v37+s2+$0x0], $0xffff  }
0x65: {  	v9 =	vadd.f32 v12, v9;
	v45 =	vadd.s32 $0x7530, v37;
	v38 =	vld.idx.msk [tilespmem:v38+s2+$0x0], $0xffff  }
0x66: {  	v46 =	vadd.s32 $0x9C40, v35;
	v27 =	vmax.f32 v30, v27;
	v21 =	vmax.f32 v31, v21;
	v39 =	vld.idx.msk [tilespmem:v39+s2+$0x0], $0xffff  }
0x67: {  	v56 =	vadd.s32 $0x9C40, v37;
	v57 =	vmax.f32 v25, v29;
	v58 =	vadd.s32 $0xC350, v35;
	v30 =	vld.idx.msk [tilespmem:v40+s2+$0x0], $0xffff  }
0x68: {  	v18 =	vmax.f32 v18, v20;
	v59 =	vadd.s32 $0xC350, v37;
	v11 =	vmax.f32 v11, v16;
	v25 =	vld.idx.msk [tilespmem:v42+s2+$0x0], $0xffff  }
0x69: {  	v60 =	vmax.f32 v28, v17;
	v62 =	vadd.s32 $0xEA60, v35;
	v63 =	vmax.f32 v22, v19;
	v20 =	vld.idx.msk [tilespmem:v44+s2+$0x0], $0xffff  }
0x6a: {  	v47 =	vadd.s32 $0x11170, v37;
	v50 =	vmax.f32 v24, v23;
	v13 =	vadd.f32 v21, v13;
	v61 =	vld.idx.msk [tilespmem:v45+s2+$0x0], $0xffff  }
0x6b: {  	v0 =	vmax.f32 v14, v0;
	v6 =	vadd.f32 v57, v6;
	v4 =	vadd.f32 v11, v4;
	v40 =	vld.idx.msk [tilespmem:v46+s2+$0x0], $0xffff  }
0x6c: {  	v10 =	vadd.f32 v63, v10;
	v7 =	vadd.f32 v18, v7;
	v42 =	vadd.s32 $0xEA60, v37;
	v44 =	vld.idx.msk [tilespmem:v56+s2+$0x0], $0xffff  }
0x6d: {  	v3 =	vadd.f32 v60, v3;
	v6 =	vadd.f32 v27, v6;
	v45 =	vadd.s32 $0x11170, v35;
	v46 =	vld.idx.msk [tilespmem:v58+s2+$0x0], $0xffff  }
0x6e: {  	v7 =	vadd.f32 v50, v7;
	v0 =	vadd.f32 v0, v10;
	v8 =	vmax.f32 v8, v33;
	v48 =	vld.idx.msk [tilespmem:v59+s2+$0x0], $0xffff  }
0x6f: {  	v49 =	vmax.f32 v32, v34;
	v51 =	vld.idx.msk [tilespmem:v62+s2+$0x0], $0xffff;
	v2 =	vmax.f32 v5, v2;
	v4 =	vadd.f32 v8, v4  }
0x70: {  	v56 =	vld.idx.msk [tilespmem:v47+s2+$0x0], $0xffff;
	v3 =	vadd.f32 v49, v3;
	v2 =	vadd.f32 v2, v9;
	v55 =	vmax.f32 v41, v43  }
0x71: {  	v1 =	vadd.f32 v55, v1;
	v53 =	vld.idx.msk [tilespmem:v42+s2+$0x0], $0xffff;
	v57 =	vmax.f32 v38, v39;
	v58 =	vmax.f32 v30, v25  }
0x72: {  	v54 =	vld.idx.msk [tilespmem:v45+s2+$0x0], $0xffff;
	v59 =	vmax.f32 v20, v61;
	v60 =	vmax.f32 v40, v44;
	v7 =	vadd.f32 v57, v7  }
0x73: {  	v61 =	vmax.f32 v46, v48;
	v4 =	vadd.f32 v58, v4;
	v3 =	vadd.f32 v59, v3  }
0x74: {  	v2 =	vadd.f32 v60, v2;
	v6 =	vadd.f32 v61, v6  }
0x75: {  	v52 =	vmax.f32 v26, v36;
	v1 =	vadd.f32 v7, v1;
	v3 =	vadd.f32 v3, v4  }
0x76: {  	v8 =	vadd.f32 v52, v13;
	v2 =	vadd.f32 v6, v2  }
0x77: {  	v62 =	vmax.f32 v51, v53;
	v5 =	vmax.f32 v54, v56;
	v1 =	vadd.f32 v3, v1  }
0x78: {  	v0 =	vadd.f32 v62, v0;
	v63 =	vadd.f32 v5, v8;
	_ =	sdelay $0x1  }
0x79: {  	v1 =	vadd.f32 v2, v1;
	v0 =	vadd.f32 v63, v0;
	_ =	sdelay $0x1  }
0x7a: {  	s12 =	sadd.s32 $0x1, s12;
	v0 =	vadd.f32 v0, v1  }
0x7b: {  	p0 =	sne.s32 s12, s7  }
.Ltmp1:
0x7c: {  	[tilespmem:$0x186A0] =	vst v0;
	(pc) =	sbr.rel @p0 .LBB2_1-.Ltmp1, $4  }
0x7d: {  	[hbm4b:s6+s2] =	stream.linear.scatter [tilespmem:s11], [sflag:$0x1], $0x10, $0x38;
	[tilespmem:$0x186B0] =	vst v63  }
0x7e: {  	_ =	swait.ge [sflag:s8], $0x10  }
0x7f: {  	[sflag:s8] =	ssyncset.done $0x0  }
0x80: {  	[sflag:s8] =	ssyncadd.s32 $0xFFFFFFF0  }
0x81: {  	_ =	sfence.sel $0x180000  }
0x82: {  	[bflag:$0x0] =	sbarrier.arrive $0xFFFF  }
0x83: {  	p0 =	sne.s32 s0, $0x0;
	_ =	strace $0x90000047  }
0x84: {  	s0 =	sadd.s32 @!p0 $0x100000, s1;
	[bflag:$0x2] =	sbarrier.arrive $0xFFFF  }
0x85: {  	[sflag:s0] =	ssyncadd.tile.s32 @!p0 $0x1;
	_ =	shalt  }
.Lfunc_end2:
_tile_overlayer_lowered:
.L_overlay_start_2:
0x86: {  	(tag) =	ssettag $0x2  }
0x87: {  	s0 =	rddreg [dreg:$0x0];
	s2 =	stileid.u32  }
0x88: {  	s1 =	rddreg [dreg:$0x1];
	p0 =	sne.s32 s2, $0x0  }
0x89: {  	s3 =	rddreg [dreg:$0x2];
	[bflag:$0x3] =	sbarrier.arrive $0xFFFF;
	s2 =	simm.s32 @!p0 $0x1C01  }
0x8a: {  	[timem:s3], [sflag:s2] =	dma.local @!p0 [hbm:s0], s1  }
0x8b: {  	s0 =	simm.s32 @!p0 $0x1  }
0x8c: {  	_ =	swait.ge @!p0 [sflag:s0], s1  }
0x8d: {  	s1 =	ssub.s32 @!p0 $0x0, s1;
	[sflag:s0] =	ssyncset.done @!p0 $0x0  }
0x8e: {  	[sflag:s0] =	ssyncadd.s32 @!p0 s1  }
0x8f: {  	[bflag:$0x3] =	sbarrier.arrive $0xFFFF  }
0x90: {  	_ =	shalt  }

</sc_bundles>
